<compile_context>
chip_gen: v7x
topology: tpu7x:2x2x1
jax: 0.10.2.dev20260603
libtpu: 0.0.44.dev20260713+nightly
codegen_flags: <defaults>
</compile_context>

<pallas_src>
import functools

import jax
import jax.numpy as jnp
from jax import lax
from jax.experimental import pallas as pl
from jax.experimental.pallas import tpu as pltpu
from jax.experimental.pallas import tpu_sc as plsc

N_ROWS = 1024
N_FEAT = 128
N_PIDS = 100000
N_CQ = 5000
SCALE = 30.0
IGNORE = 5554
LOG2E = 1.4426950408889634
LN2 = 0.6931471805599453

TILE_LUT = 10000


def _lane_partial_sums(e, acc, ncols):
    nfull = ncols // N_FEAT
    part = e[:, 0:N_FEAT]
    for k in range(1, nfull):
        part = part + e[:, k * N_FEAT:(k + 1) * N_FEAT]
    acc = acc + part
    rem = ncols - nfull * N_FEAT
    if rem:
        tail = acc[:, 0:rem] + e[:, nfull * N_FEAT:ncols]
        acc = jnp.concatenate([tail, acc[:, rem:N_FEAT]], axis=1)
    return acc



def _sumexp_body(x_ref, w_ref, s_ref):
    i = pl.program_id(0)
    xb = (x_ref[...] * (SCALE * LOG2E)).astype(jnp.bfloat16)
    t = lax.dot_general(
        xb, w_ref[...].astype(jnp.bfloat16),
        (((1,), (1,)), ((), ())),
        preferred_element_type=jnp.float32,
    )
    base = jnp.where(i == 0, jnp.zeros_like(s_ref), s_ref[...])
    s_ref[...] = _lane_partial_sums(jnp.exp2(t), base, TILE_LUT)


def _sumexp_lut(x, lut):
    return pl.pallas_call(
        _sumexp_body,
        grid=(N_PIDS // TILE_LUT,),
        in_specs=[
            pl.BlockSpec((N_ROWS, N_FEAT), lambda i: (0, 0)),
            pl.BlockSpec((TILE_LUT, N_FEAT), lambda i: (i, 0)),
        ],
        out_specs=pl.BlockSpec((N_ROWS, N_FEAT), lambda i: (0, 0)),
        out_shape=jax.ShapeDtypeStruct((N_ROWS, N_FEAT), jnp.float32),
    )(x, lut)



_NC = 1
_NW = 16 * _NC
_BPW = N_ROWS // _NW
_L = 16


@functools.lru_cache(maxsize=1)
def _make_sc_gather():
    mesh = plsc.VectorSubcoreMesh(
        core_axis_name="c", subcore_axis_name="s", num_cores=_NC)

    @functools.partial(
        pl.kernel,
        mesh=mesh,
        out_type=[jax.ShapeDtypeStruct((N_ROWS, N_FEAT), jnp.float32),
                  jax.ShapeDtypeStruct((N_ROWS,), jnp.float32)],
        scratch_types=[
            pltpu.VMEM((_BPW,), jnp.int32),
            pltpu.VMEM((_BPW, N_FEAT), jnp.float32),
            pltpu.VMEM((_BPW,), jnp.float32),
            pltpu.SemaphoreType.DMA,
        ],
    )
    def gather_k(table_hbm, tgt_hbm, g_hbm, vm_hbm,
                 idx_v, rows_v, vm_v, sem):
        wid = lax.axis_index("s") * _NC + lax.axis_index("c")
        base = wid * _BPW
        pltpu.sync_copy(
            tgt_hbm.at[wid // 2, pl.ds((wid % 2) * _BPW, _BPW)], idx_v)
        for g in range(_BPW // _L):
            lbl = idx_v[pl.ds(g * _L, _L)] - 1
            idx_v[pl.ds(g * _L, _L)] = jnp.maximum(lbl, 0)
            ok = jnp.logical_and(lbl >= 0, lbl != IGNORE)
            vm_v[pl.ds(g * _L, _L)] = jnp.where(ok, 1.0, 0.0)
        pltpu.async_copy(table_hbm.at[idx_v], rows_v, sem).wait()
        pltpu.sync_copy(rows_v, g_hbm.at[pl.ds(base, _BPW)])
        pltpu.sync_copy(vm_v, vm_hbm.at[pl.ds(base, _BPW)])

    return gather_k



def _combine_body(x_ref, cq_ref, g_ref, vm_ref, sa_ref, out_ref):
    x = x_ref[...]
    xb = (x * (SCALE * LOG2E)).astype(jnp.bfloat16)
    t = lax.dot_general(
        xb, cq_ref[...].astype(jnp.bfloat16),
        (((1,), (1,)), ((), ())),
        preferred_element_type=jnp.float32,
    )
    s128 = _lane_partial_sums(jnp.exp2(t), sa_ref[...], N_CQ)
    s = jnp.sum(s128, axis=1, keepdims=True)
    picked = SCALE * jnp.sum(x * g_ref[...], axis=1, keepdims=True)
    nll = jnp.log(s) - picked
    vm1 = vm_ref[...].reshape(1, N_ROWS)
    num = lax.dot_general(vm1, nll, (((1,), (0,)), ((), ())),
                          preferred_element_type=jnp.float32)
    den = jnp.maximum(jnp.sum(vm1, axis=1, keepdims=True), 1.0)
    out_ref[...] = num / den


def _combine(x, cq, g, vm, sa):
    return pl.pallas_call(
        _combine_body,
        out_shape=jax.ShapeDtypeStruct((1, 1), jnp.float32),
    )(x, cq, g, vm, sa)



def kernel(inputs, roi_label, ious, lut, cq):
    g, vm = _make_sc_gather()(lut, roi_label)
    s_lut = _sumexp_lut(inputs, lut)
    loss = _combine(inputs, cq, g, vm, s_lut)
    return jnp.nan_to_num(loss.reshape(()))

# --- scband reference (transcript-rebuilt; emitter-appended) ---
"""Pipeline reference for scband-loimloss-40690520162428 (READ-ONLY COPY).

The authoritative reference and input builder live on the scoring server;
editing this copy changes nothing except your own understanding.
"""

import jax, jax.numpy as jnp
import numpy as np

NUM_FEATURES = 128
NUM_PIDS = 100000
NUM_CQ = 5000
OIM_SCALER = 30.0
IGNORE_INDEX = 5554


def _l2norm(x):
    return x / jnp.linalg.norm(x, axis=1, keepdims=True)


def setup_inputs(seed: int = 0) -> dict:
    key = jax.random.key(seed)
    k1, k2, k3, k4, k5 = jax.random.split(key, 5)
    inputs = _l2norm(jax.random.normal(k1, (1024, NUM_FEATURES), dtype=jnp.float32))
    roi_label = jax.random.randint(k2, (8, 128), 0, NUM_PIDS + 1)
    ious = jax.random.uniform(k3, (1024,), dtype=jnp.float32)
    lut = _l2norm(jax.random.normal(k4, (NUM_PIDS, NUM_FEATURES), dtype=jnp.float32))
    cq = _l2norm(jax.random.normal(k5, (NUM_CQ, NUM_FEATURES), dtype=jnp.float32))
    return {"inputs": inputs, "roi_label": roi_label, "ious": ious, "lut": lut, "cq": cq}


def reference(inputs, roi_label, ious, lut, cq):
    # targets = torch.cat(roi_label); label = targets - 1; keep label >= 0
    targets = roi_label.reshape(-1)
    label = targets - 1
    keep = label >= 0
    safe_label = jnp.where(keep, label, 0)
    # LOIM.forward: projections onto labeled lookup table and circular queue
    outputs_labeled = inputs @ lut.T
    outputs_unlabeled = inputs @ cq.T
    projected = jnp.concatenate([outputs_labeled, outputs_unlabeled], axis=1)
    projected = projected * OIM_SCALER
    # cross_entropy with ignore_index=5554
    logp = jax.nn.log_softmax(projected, axis=-1)
    nll = -jnp.take_along_axis(logp, safe_label[:, None], axis=1)[:, 0]
    valid = keep & (label != IGNORE_INDEX)
    denom = jnp.maximum(jnp.sum(valid.astype(jnp.int32)), 1)
    vmask = valid.astype(jnp.float32)
    loss = jnp.sum(nll * vmask) / denom
    loss = jnp.nan_to_num(loss)
    return loss

if __name__ == "__main__":
    import jax
    _d = setup_inputs()
    print(jax.jit(kernel)(*tuple(_d.values())))

</pallas_src>

<mosaic_0001>
#map = affine_map<(d0, d1) -> (0, 0)>
#map1 = affine_map<(d0, d1) -> (0)>
module attributes {stable_mosaic.version = 14 : i64} {
  func.func @gather_k(%arg0: i32, %arg1: i32, %arg2: memref<100000x128xf32, #tpu.memory_space<hbm>>, %arg3: memref<8x128xi32, #tpu.memory_space<hbm>>, %arg4: memref<1024x128xf32, #tpu.memory_space<hbm>>, %arg5: memref<1024xf32, #tpu.memory_space<hbm>>, %arg6: memref<64xi32, #tpu.memory_space<vmem>>, %arg7: memref<64x128xf32, #tpu.memory_space<vmem>>, %arg8: memref<64xf32, #tpu.memory_space<vmem>>, %arg9: memref<!tpu.dma_semaphore, #tpu.memory_space<semaphore_mem>>) attributes {dimension_semantics = [#tpu.dimension_semantics<core_parallel>, #tpu.dimension_semantics<subcore_parallel>], iteration_bounds = array<i64: 1, 16>, scalar_prefetch = 0 : i64, scratch_operands = 4 : i64, tpu.core_type = #tpu.core_type<sc_vector_subcore>, window_params = [{transform_indices = #map}, {transform_indices = #map}, {transform_indices = #map}, {transform_indices = #map1}]} {
    %mul3A = arith.constant 1 : i32
    %mul3A_0 = arith.muli %arg1, %mul3A : i32
    %add3A = arith.addi %mul3A_0, %arg0 : i32
    %mul3A_1 = arith.constant 64 : i32
    %mul3A_2 = arith.muli %add3A, %mul3A_1 : i32
    %jit3A = arith.constant 2 : i32
    %div3A = arith.divsi %add3A, %jit3A : i32
    %sign3A = arith.constant 0 : i32
    %sign3A_3 = arith.cmpi sgt, %add3A, %sign3A : i32
    %sign3A_4 = arith.extui %sign3A_3 : i1 to i32
    %sign3A_5 = arith.constant 0 : i32
    %sign3A_6 = arith.cmpi slt, %add3A, %sign3A_5 : i32
    %sign3A_7 = arith.extui %sign3A_6 : i1 to i32
    %sign3A_8 = arith.subi %sign3A_4, %sign3A_7 : i32
    %sign3A_9 = arith.constant 0 : i32
    %sign3A_10 = arith.cmpi sgt, %jit3A, %sign3A_9 : i32
    %sign3A_11 = arith.extui %sign3A_10 : i1 to i32
    %sign3A_12 = arith.constant 0 : i32
    %sign3A_13 = arith.cmpi slt, %jit3A, %sign3A_12 : i32
    %sign3A_14 = arith.extui %sign3A_13 : i1 to i32
    %sign3A_15 = arith.subi %sign3A_11, %sign3A_14 : i32
    %ne3A = arith.cmpi ne, %sign3A_8, %sign3A_15 : i32
    %rem3A = arith.remsi %add3A, %jit3A : i32
    %ne3A_16 = arith.constant 0 : i32
    %ne3A_17 = arith.cmpi ne, %rem3A, %ne3A_16 : i32
    %and3A = arith.andi %ne3A, %ne3A_17 : i1
    %sub3A = arith.constant 1 : i32
    %sub3A_18 = arith.subi %div3A, %sub3A : i32
    %select_n3A = arith.select %and3A, %sub3A_18, %div3A : i32
    %jit3A_19 = arith.constant 2 : i32
    %eq3A = arith.constant 0 : i32
    %eq3A_20 = arith.cmpi eq, %jit3A_19, %eq3A : i32
    %jit3A_21 = arith.constant 1 : i32
    %select_n3A_22 = arith.select %eq3A_20, %jit3A_21, %jit3A_19 : i32
    %rem3A_23 = arith.remsi %add3A, %select_n3A_22 : i32
    %ne3A_24 = arith.constant 0 : i32
    %ne3A_25 = arith.cmpi ne, %rem3A_23, %ne3A_24 : i32
    %lt3A = arith.constant 0 : i32
    %lt3A_26 = arith.cmpi slt, %rem3A_23, %lt3A : i32
    %lt3A_27 = arith.constant 0 : i32
    %lt3A_28 = arith.cmpi slt, %select_n3A_22, %lt3A_27 : i32
    %ne3A_29 = arith.xori %lt3A_26, %lt3A_28 : i1
    %and3A_30 = arith.andi %ne3A_29, %ne3A_25 : i1
    %add3A_31 = arith.addi %rem3A_23, %select_n3A_22 : i32
    %select_n3A_32 = arith.select %and3A_30, %add3A_31, %rem3A_23 : i32
    %mul3A_33 = arith.constant 64 : i32
    %mul3A_34 = arith.muli %select_n3A_32, %mul3A_33 : i32
    "tpu.region"() ({
      %run_scoped3A = tpu.sem_alloc : memref<!tpu.dma_semaphore, #tpu.memory_space<semaphore_mem>>
      %dma_start3A_150 = tpu.memref_slice %arg3[%select_n3A, %mul3A_34] : memref<8x128xi32, #tpu.memory_space<hbm>> -> memref<1x64xi32, #tpu.memory_space<hbm>>
      %dma_start3A_151 = tpu.memref_squeeze %dma_start3A_150 : memref<1x64xi32, #tpu.memory_space<hbm>> -> memref<64xi32, #tpu.memory_space<hbm>>
      %dma_start3A_152 = tpu.memref_slice %arg3[%select_n3A, %mul3A_34] : memref<8x128xi32, #tpu.memory_space<hbm>> -> memref<1x64xi32, #tpu.memory_space<hbm>>
      %dma_start3A_153 = tpu.memref_squeeze %dma_start3A_152 : memref<1x64xi32, #tpu.memory_space<hbm>> -> memref<64xi32, #tpu.memory_space<hbm>>
      tpu.enqueue_dma source(%dma_start3A_153 : memref<64xi32, #tpu.memory_space<hbm>>) target(%arg6 : memref<64xi32, #tpu.memory_space<vmem>>) target_semaphore(%run_scoped3A : memref<!tpu.dma_semaphore, #tpu.memory_space<semaphore_mem>>)
      %dma_wait3A_154 = tpu.memref_slice %arg3[%select_n3A, %mul3A_34] : memref<8x128xi32, #tpu.memory_space<hbm>> -> memref<1x64xi32, #tpu.memory_space<hbm>>
      %dma_wait3A_155 = tpu.memref_squeeze %dma_wait3A_154 : memref<1x64xi32, #tpu.memory_space<hbm>> -> memref<64xi32, #tpu.memory_space<hbm>>
      %dma_wait3A_156 = tpu.memref_slice %arg3[%select_n3A, %mul3A_34] : memref<8x128xi32, #tpu.memory_space<hbm>> -> memref<1x64xi32, #tpu.memory_space<hbm>>
      %dma_wait3A_157 = tpu.memref_squeeze %dma_wait3A_156 : memref<1x64xi32, #tpu.memory_space<hbm>> -> memref<64xi32, #tpu.memory_space<hbm>>
      tpu.wait_dma2 semaphore(%run_scoped3A : memref<!tpu.dma_semaphore, #tpu.memory_space<semaphore_mem>>) src(%dma_wait3A_157 : memref<64xi32, #tpu.memory_space<hbm>>) dst(%arg6 : memref<64xi32, #tpu.memory_space<vmem>>)
      tpu.yield
    }) : () -> ()
    %get3A = arith.constant 0 : index
    %get3A_35 = tpu.vector_load %arg6[%get3A] {strides = array<i32>} : memref<64xi32, #tpu.memory_space<vmem>>, vector<16xi32>,
    %get3A_36 = vector.shape_cast %get3A_35 : vector<16xi32> to vector<16xi32>
    %sub3A_37 = arith.constant 1 : i32
    %sub3A_38 = vector.broadcast %sub3A_37 : i32 to vector<16xi32>
    %sub3A_39 = arith.subi %get3A_36, %sub3A_38 : vector<16xi32>
    %max3A = arith.constant 0 : i32
    %max3A_40 = vector.broadcast %max3A : i32 to vector<16xi32>
    %max3A_41 = arith.maxsi %sub3A_39, %max3A_40 : vector<16xi32>
    %swap3A = arith.constant 0 : index
    %swap3A_42 = tpu.vector_load %arg6[%swap3A] {strides = array<i32>} : memref<64xi32, #tpu.memory_space<vmem>>, vector<16xi32>,
    %swap3A_43 = vector.shape_cast %swap3A_42 : vector<16xi32> to vector<16xi32>
    %swap3A_44 = vector.shape_cast %max3A_41 : vector<16xi32> to vector<16xi32>
    tpu.vector_store %arg6[%swap3A], %swap3A_44 {strides = array<i32>} : memref<64xi32, #tpu.memory_space<vmem>>, vector<16xi32>,
    %ge3A = arith.constant 0 : i32
    %ge3A_45 = vector.broadcast %ge3A : i32 to vector<16xi32>
    %ge3A_46 = arith.cmpi sge, %sub3A_39, %ge3A_45 : vector<16xi32>
    %ne3A_47 = arith.constant 5554 : i32
    %ne3A_48 = vector.broadcast %ne3A_47 : i32 to vector<16xi32>
    %ne3A_49 = arith.cmpi ne, %sub3A_39, %ne3A_48 : vector<16xi32>
    %and3A_50 = arith.andi %ge3A_46, %ne3A_49 : vector<16xi1>
    %jit3A_51 = arith.constant 1.000000e+00 : f32
    %jit3A_52 = arith.constant 0.000000e+00 : f32
    %broadcast_in_dim3A = vector.broadcast %jit3A_51 : f32 to vector<16xf32>
    %broadcast_in_dim3A_53 = vector.broadcast %jit3A_52 : f32 to vector<16xf32>
    %select_n3A_54 = arith.select %and3A_50, %broadcast_in_dim3A, %broadcast_in_dim3A_53 : vector<16xi1>, vector<16xf32>
    %swap3A_55 = arith.constant 0 : index
    %swap3A_56 = tpu.vector_load %arg8[%swap3A_55] {strides = array<i32>} : memref<64xf32, #tpu.memory_space<vmem>>, vector<16xf32>,
    %swap3A_57 = vector.shape_cast %swap3A_56 : vector<16xf32> to vector<16xf32>
    %swap3A_58 = vector.shape_cast %select_n3A_54 : vector<16xf32> to vector<16xf32>
    tpu.vector_store %arg8[%swap3A_55], %swap3A_58 {strides = array<i32>} : memref<64xf32, #tpu.memory_space<vmem>>, vector<16xf32>,
    %get3A_59 = arith.constant 16 : index
    %get3A_60 = tpu.vector_load %arg6[%get3A_59] {strides = array<i32>} : memref<64xi32, #tpu.memory_space<vmem>>, vector<16xi32>,
    %get3A_61 = vector.shape_cast %get3A_60 : vector<16xi32> to vector<16xi32>
    %sub3A_62 = arith.constant 1 : i32
    %sub3A_63 = vector.broadcast %sub3A_62 : i32 to vector<16xi32>
    %sub3A_64 = arith.subi %get3A_61, %sub3A_63 : vector<16xi32>
    %max3A_65 = arith.constant 0 : i32
    %max3A_66 = vector.broadcast %max3A_65 : i32 to vector<16xi32>
    %max3A_67 = arith.maxsi %sub3A_64, %max3A_66 : vector<16xi32>
    %swap3A_68 = arith.constant 16 : index
    %swap3A_69 = tpu.vector_load %arg6[%swap3A_68] {strides = array<i32>} : memref<64xi32, #tpu.memory_space<vmem>>, vector<16xi32>,
    %swap3A_70 = vector.shape_cast %swap3A_69 : vector<16xi32> to vector<16xi32>
    %swap3A_71 = vector.shape_cast %max3A_67 : vector<16xi32> to vector<16xi32>
    tpu.vector_store %arg6[%swap3A_68], %swap3A_71 {strides = array<i32>} : memref<64xi32, #tpu.memory_space<vmem>>, vector<16xi32>,
    %ge3A_72 = arith.constant 0 : i32
    %ge3A_73 = vector.broadcast %ge3A_72 : i32 to vector<16xi32>
    %ge3A_74 = arith.cmpi sge, %sub3A_64, %ge3A_73 : vector<16xi32>
    %ne3A_75 = arith.constant 5554 : i32
    %ne3A_76 = vector.broadcast %ne3A_75 : i32 to vector<16xi32>
    %ne3A_77 = arith.cmpi ne, %sub3A_64, %ne3A_76 : vector<16xi32>
    %and3A_78 = arith.andi %ge3A_74, %ne3A_77 : vector<16xi1>
    %jit3A_79 = arith.constant 1.000000e+00 : f32
    %jit3A_80 = arith.constant 0.000000e+00 : f32
    %broadcast_in_dim3A_81 = vector.broadcast %jit3A_79 : f32 to vector<16xf32>
    %broadcast_in_dim3A_82 = vector.broadcast %jit3A_80 : f32 to vector<16xf32>
    %select_n3A_83 = arith.select %and3A_78, %broadcast_in_dim3A_81, %broadcast_in_dim3A_82 : vector<16xi1>, vector<16xf32>
    %swap3A_84 = arith.constant 16 : index
    %swap3A_85 = tpu.vector_load %arg8[%swap3A_84] {strides = array<i32>} : memref<64xf32, #tpu.memory_space<vmem>>, vector<16xf32>,
    %swap3A_86 = vector.shape_cast %swap3A_85 : vector<16xf32> to vector<16xf32>
    %swap3A_87 = vector.shape_cast %select_n3A_83 : vector<16xf32> to vector<16xf32>
    tpu.vector_store %arg8[%swap3A_84], %swap3A_87 {strides = array<i32>} : memref<64xf32, #tpu.memory_space<vmem>>, vector<16xf32>,
    %get3A_88 = arith.constant 32 : index
    %get3A_89 = tpu.vector_load %arg6[%get3A_88] {strides = array<i32>} : memref<64xi32, #tpu.memory_space<vmem>>, vector<16xi32>,
    %get3A_90 = vector.shape_cast %get3A_89 : vector<16xi32> to vector<16xi32>
    %sub3A_91 = arith.constant 1 : i32
    %sub3A_92 = vector.broadcast %sub3A_91 : i32 to vector<16xi32>
    %sub3A_93 = arith.subi %get3A_90, %sub3A_92 : vector<16xi32>
    %max3A_94 = arith.constant 0 : i32
    %max3A_95 = vector.broadcast %max3A_94 : i32 to vector<16xi32>
    %max3A_96 = arith.maxsi %sub3A_93, %max3A_95 : vector<16xi32>
    %swap3A_97 = arith.constant 32 : index
    %swap3A_98 = tpu.vector_load %arg6[%swap3A_97] {strides = array<i32>} : memref<64xi32, #tpu.memory_space<vmem>>, vector<16xi32>,
    %swap3A_99 = vector.shape_cast %swap3A_98 : vector<16xi32> to vector<16xi32>
    %swap3A_100 = vector.shape_cast %max3A_96 : vector<16xi32> to vector<16xi32>
    tpu.vector_store %arg6[%swap3A_97], %swap3A_100 {strides = array<i32>} : memref<64xi32, #tpu.memory_space<vmem>>, vector<16xi32>,
    %ge3A_101 = arith.constant 0 : i32
    %ge3A_102 = vector.broadcast %ge3A_101 : i32 to vector<16xi32>
    %ge3A_103 = arith.cmpi sge, %sub3A_93, %ge3A_102 : vector<16xi32>
    %ne3A_104 = arith.constant 5554 : i32
    %ne3A_105 = vector.broadcast %ne3A_104 : i32 to vector<16xi32>
    %ne3A_106 = arith.cmpi ne, %sub3A_93, %ne3A_105 : vector<16xi32>
    %and3A_107 = arith.andi %ge3A_103, %ne3A_106 : vector<16xi1>
    %jit3A_108 = arith.constant 1.000000e+00 : f32
    %jit3A_109 = arith.constant 0.000000e+00 : f32
    %broadcast_in_dim3A_110 = vector.broadcast %jit3A_108 : f32 to vector<16xf32>
    %broadcast_in_dim3A_111 = vector.broadcast %jit3A_109 : f32 to vector<16xf32>
    %select_n3A_112 = arith.select %and3A_107, %broadcast_in_dim3A_110, %broadcast_in_dim3A_111 : vector<16xi1>, vector<16xf32>
    %swap3A_113 = arith.constant 32 : index
    %swap3A_114 = tpu.vector_load %arg8[%swap3A_113] {strides = array<i32>} : memref<64xf32, #tpu.memory_space<vmem>>, vector<16xf32>,
    %swap3A_115 = vector.shape_cast %swap3A_114 : vector<16xf32> to vector<16xf32>
    %swap3A_116 = vector.shape_cast %select_n3A_112 : vector<16xf32> to vector<16xf32>
    tpu.vector_store %arg8[%swap3A_113], %swap3A_116 {strides = array<i32>} : memref<64xf32, #tpu.memory_space<vmem>>, vector<16xf32>,
    %get3A_117 = arith.constant 48 : index
    %get3A_118 = tpu.vector_load %arg6[%get3A_117] {strides = array<i32>} : memref<64xi32, #tpu.memory_space<vmem>>, vector<16xi32>,
    %get3A_119 = vector.shape_cast %get3A_118 : vector<16xi32> to vector<16xi32>
    %sub3A_120 = arith.constant 1 : i32
    %sub3A_121 = vector.broadcast %sub3A_120 : i32 to vector<16xi32>
    %sub3A_122 = arith.subi %get3A_119, %sub3A_121 : vector<16xi32>
    %max3A_123 = arith.constant 0 : i32
    %max3A_124 = vector.broadcast %max3A_123 : i32 to vector<16xi32>
    %max3A_125 = arith.maxsi %sub3A_122, %max3A_124 : vector<16xi32>
    %swap3A_126 = arith.constant 48 : index
    %swap3A_127 = tpu.vector_load %arg6[%swap3A_126] {strides = array<i32>} : memref<64xi32, #tpu.memory_space<vmem>>, vector<16xi32>,
    %swap3A_128 = vector.shape_cast %swap3A_127 : vector<16xi32> to vector<16xi32>
    %swap3A_129 = vector.shape_cast %max3A_125 : vector<16xi32> to vector<16xi32>
    tpu.vector_store %arg6[%swap3A_126], %swap3A_129 {strides = array<i32>} : memref<64xi32, #tpu.memory_space<vmem>>, vector<16xi32>,
    %ge3A_130 = arith.constant 0 : i32
    %ge3A_131 = vector.broadcast %ge3A_130 : i32 to vector<16xi32>
    %ge3A_132 = arith.cmpi sge, %sub3A_122, %ge3A_131 : vector<16xi32>
    %ne3A_133 = arith.constant 5554 : i32
    %ne3A_134 = vector.broadcast %ne3A_133 : i32 to vector<16xi32>
    %ne3A_135 = arith.cmpi ne, %sub3A_122, %ne3A_134 : vector<16xi32>
    %and3A_136 = arith.andi %ge3A_132, %ne3A_135 : vector<16xi1>
    %jit3A_137 = arith.constant 1.000000e+00 : f32
    %jit3A_138 = arith.constant 0.000000e+00 : f32
    %broadcast_in_dim3A_139 = vector.broadcast %jit3A_137 : f32 to vector<16xf32>
    %broadcast_in_dim3A_140 = vector.broadcast %jit3A_138 : f32 to vector<16xf32>
    %select_n3A_141 = arith.select %and3A_136, %broadcast_in_dim3A_139, %broadcast_in_dim3A_140 : vector<16xi1>, vector<16xf32>
    %swap3A_142 = arith.constant 48 : index
    %swap3A_143 = tpu.vector_load %arg8[%swap3A_142] {strides = array<i32>} : memref<64xf32, #tpu.memory_space<vmem>>, vector<16xf32>,
    %swap3A_144 = vector.shape_cast %swap3A_143 : vector<16xf32> to vector<16xf32>
    %swap3A_145 = vector.shape_cast %select_n3A_141 : vector<16xf32> to vector<16xf32>
    tpu.vector_store %arg8[%swap3A_142], %swap3A_145 {strides = array<i32>} : memref<64xf32, #tpu.memory_space<vmem>>, vector<16xf32>,
    %dma_start3A = arith.constant 0 : i32
    %dma_start3A_146 = arith.constant 0 : i32
    %dma_start3A_147 = tpu.memref_slice %arg2[%dma_start3A, %dma_start3A_146] : memref<100000x128xf32, #tpu.memory_space<hbm>> -> memref<100000x128xf32, #tpu.memory_space<hbm>>
    tpu.enqueue_indirect_dma source(%dma_start3A_147 : memref<100000x128xf32, #tpu.memory_space<hbm>>) target(%arg7 : memref<64x128xf32, #tpu.memory_space<vmem>>) offsets(%arg6 : memref<64xi32, #tpu.memory_space<vmem>>) semaphore(%arg9 : memref<!tpu.dma_semaphore, #tpu.memory_space<semaphore_mem>>)
    %dma_wait3A = arith.constant 0 : i32
    %dma_wait3A_148 = arith.constant 0 : i32
    %dma_wait3A_149 = tpu.memref_slice %arg2[%dma_wait3A, %dma_wait3A_148] : memref<100000x128xf32, #tpu.memory_space<hbm>> -> memref<100000x128xf32, #tpu.memory_space<hbm>>
    tpu.wait_indirect_dma semaphore(%arg9 : memref<!tpu.dma_semaphore, #tpu.memory_space<semaphore_mem>>) src(%dma_wait3A_149 : memref<100000x128xf32, #tpu.memory_space<hbm>>) dst(%arg7 : memref<64x128xf32, #tpu.memory_space<vmem>>)
    "tpu.region"() ({
      %run_scoped3A = tpu.sem_alloc : memref<!tpu.dma_semaphore, #tpu.memory_space<semaphore_mem>>
      %dma_start3A_150 = arith.constant 0 : i32
      %dma_start3A_151 = tpu.memref_slice %arg4[%mul3A_2, %dma_start3A_150] : memref<1024x128xf32, #tpu.memory_space<hbm>> -> memref<64x128xf32, #tpu.memory_space<hbm>>
      %dma_start3A_152 = arith.constant 0 : i32
      %dma_start3A_153 = tpu.memref_slice %arg4[%mul3A_2, %dma_start3A_152] : memref<1024x128xf32, #tpu.memory_space<hbm>> -> memref<64x128xf32, #tpu.memory_space<hbm>>
      tpu.enqueue_dma source(%arg7 : memref<64x128xf32, #tpu.memory_space<vmem>>) target(%dma_start3A_153 : memref<64x128xf32, #tpu.memory_space<hbm>>) target_semaphore(%run_scoped3A : memref<!tpu.dma_semaphore, #tpu.memory_space<semaphore_mem>>)
      %dma_wait3A_154 = arith.constant 0 : i32
      %dma_wait3A_155 = tpu.memref_slice %arg4[%mul3A_2, %dma_wait3A_154] : memref<1024x128xf32, #tpu.memory_space<hbm>> -> memref<64x128xf32, #tpu.memory_space<hbm>>
      %dma_wait3A_156 = arith.constant 0 : i32
      %dma_wait3A_157 = tpu.memref_slice %arg4[%mul3A_2, %dma_wait3A_156] : memref<1024x128xf32, #tpu.memory_space<hbm>> -> memref<64x128xf32, #tpu.memory_space<hbm>>
      tpu.wait_dma2 semaphore(%run_scoped3A : memref<!tpu.dma_semaphore, #tpu.memory_space<semaphore_mem>>) src(%arg7 : memref<64x128xf32, #tpu.memory_space<vmem>>) dst(%dma_wait3A_157 : memref<64x128xf32, #tpu.memory_space<hbm>>)
      tpu.yield
    }) : () -> ()
    "tpu.region"() ({
      %run_scoped3A = tpu.sem_alloc : memref<!tpu.dma_semaphore, #tpu.memory_space<semaphore_mem>>
      %dma_start3A_150 = tpu.memref_slice %arg5[%mul3A_2] : memref<1024xf32, #tpu.memory_space<hbm>> -> memref<64xf32, #tpu.memory_space<hbm>>
      %dma_start3A_151 = tpu.memref_slice %arg5[%mul3A_2] : memref<1024xf32, #tpu.memory_space<hbm>> -> memref<64xf32, #tpu.memory_space<hbm>>
      tpu.enqueue_dma source(%arg8 : memref<64xf32, #tpu.memory_space<vmem>>) target(%dma_start3A_151 : memref<64xf32, #tpu.memory_space<hbm>>) target_semaphore(%run_scoped3A : memref<!tpu.dma_semaphore, #tpu.memory_space<semaphore_mem>>)
      %dma_wait3A_152 = tpu.memref_slice %arg5[%mul3A_2] : memref<1024xf32, #tpu.memory_space<hbm>> -> memref<64xf32, #tpu.memory_space<hbm>>
      %dma_wait3A_153 = tpu.memref_slice %arg5[%mul3A_2] : memref<1024xf32, #tpu.memory_space<hbm>> -> memref<64xf32, #tpu.memory_space<hbm>>
      tpu.wait_dma2 semaphore(%run_scoped3A : memref<!tpu.dma_semaphore, #tpu.memory_space<semaphore_mem>>) src(%arg8 : memref<64xf32, #tpu.memory_space<vmem>>) dst(%dma_wait3A_153 : memref<64xf32, #tpu.memory_space<hbm>>)
      tpu.yield
    }) : () -> ()
    return
  }
}

module attributes {stable_mosaic.version = 14 : i64} {
  func.func @_sumexp_body(%arg0: i32, %arg1: memref<1024x128xf32, #tpu.memory_space<vmem>>, %arg2: memref<10000x128xf32, #tpu.memory_space<vmem>>, %arg3: memref<1024x128xf32, #tpu.memory_space<vmem>>) attributes {dimension_semantics = [#tpu.dimension_semantics<arbitrary>], iteration_bounds = array<i64: 10>, scalar_prefetch = 0 : i64, scratch_operands = 0 : i64, tpu.core_type = #tpu.core_type<tc>, window_params = [{pipeline_mode = #tpu.pipeline_mode<synchronous>, transform_indices = @transform_0, window_bounds = array<i64: 1024, 128>}, {transform_indices = @transform_1, window_bounds = array<i64: 10000, 128>}, {pipeline_mode = #tpu.pipeline_mode<synchronous>, transform_indices = @transform_2, window_bounds = array<i64: 1024, 128>}]} {
    %get3A = arith.constant 0 : index
    %get3A_0 = arith.constant 0 : index
    %get3A_1 = vector.load %arg1[%get3A, %get3A_0] : memref<1024x128xf32, #tpu.memory_space<vmem>>, vector<1024x128xf32>
    %mul3A = arith.constant 43.2808495 : f32
    %mul3A_2 = vector.broadcast %mul3A : f32 to vector<1024x128xf32>
    %mul3A_3 = arith.mulf %get3A_1, %mul3A_2 : vector<1024x128xf32>
    %convert_element_type3A = arith.truncf %mul3A_3 : vector<1024x128xf32> to vector<1024x128xbf16>
    %get3A_4 = arith.constant 0 : index
    %get3A_5 = arith.constant 0 : index
    %get3A_6 = vector.load %arg2[%get3A_4, %get3A_5] : memref<10000x128xf32, #tpu.memory_space<vmem>>, vector<10000x128xf32>
    %convert_element_type3A_7 = arith.truncf %get3A_6 : vector<10000x128xf32> to vector<10000x128xbf16>
    %dot_general3A = arith.constant dense<0.000000e+00> : vector<1024x10000xf32>
    %dot_general3A_8 = tpu.matmul %convert_element_type3A, %convert_element_type3A_7, %dot_general3A {dimension_numbers = #tpu.dot_dimension_numbers<[1], [1], [0], [0], [0, 0, 1, 0], [], []>, transpose_lhs_hint = false} : vector<1024x128xbf16>, vector<10000x128xbf16>, vector<1024x10000xf32> -> vector<1024x10000xf32>
    %eq3A = arith.constant 0 : i32
    %eq3A_9 = arith.cmpi eq, %arg0, %eq3A : i32
    %broadcast_in_dim3A = arith.constant 0.000000e+00 : f32
    %broadcast_in_dim3A_10 = vector.broadcast %broadcast_in_dim3A : f32 to vector<1024x128xf32>
    %get3A_11 = arith.constant 0 : index
    %get3A_12 = arith.constant 0 : index
    %get3A_13 = vector.load %arg3[%get3A_11, %get3A_12] : memref<1024x128xf32, #tpu.memory_space<vmem>>, vector<1024x128xf32>
    %select_n3A = arith.select %eq3A_9, %broadcast_in_dim3A_10, %get3A_13 : vector<1024x128xf32>
    %exp23A = math.exp2 %dot_general3A_8 : vector<1024x10000xf32>
    %slice3A = vector.extract_strided_slice %exp23A {offsets = [0, 0], sizes = [1024, 128], strides = [1, 1]} : vector<1024x10000xf32> to vector<1024x128xf32>
    %slice3A_14 = vector.extract_strided_slice %exp23A {offsets = [0, 128], sizes = [1024, 128], strides = [1, 1]} : vector<1024x10000xf32> to vector<1024x128xf32>
    %add3A = arith.addf %slice3A, %slice3A_14 : vector<1024x128xf32>
    %slice3A_15 = vector.extract_strided_slice %exp23A {offsets = [0, 256], sizes = [1024, 128], strides = [1, 1]} : vector<1024x10000xf32> to vector<1024x128xf32>
    %add3A_16 = arith.addf %add3A, %slice3A_15 : vector<1024x128xf32>
    %slice3A_17 = vector.extract_strided_slice %exp23A {offsets = [0, 384], sizes = [1024, 128], strides = [1, 1]} : vector<1024x10000xf32> to vector<1024x128xf32>
    %add3A_18 = arith.addf %add3A_16, %slice3A_17 : vector<1024x128xf32>
    %slice3A_19 = vector.extract_strided_slice %exp23A {offsets = [0, 512], sizes = [1024, 128], strides = [1, 1]} : vector<1024x10000xf32> to vector<1024x128xf32>
    %add3A_20 = arith.addf %add3A_18, %slice3A_19 : vector<1024x128xf32>
    %slice3A_21 = vector.extract_strided_slice %exp23A {offsets = [0, 640], sizes = [1024, 128], strides = [1, 1]} : vector<1024x10000xf32> to vector<1024x128xf32>
    %add3A_22 = arith.addf %add3A_20, %slice3A_21 : vector<1024x128xf32>
    %slice3A_23 = vector.extract_strided_slice %exp23A {offsets = [0, 768], sizes = [1024, 128], strides = [1, 1]} : vector<1024x10000xf32> to vector<1024x128xf32>
    %add3A_24 = arith.addf %add3A_22, %slice3A_23 : vector<1024x128xf32>
    %slice3A_25 = vector.extract_strided_slice %exp23A {offsets = [0, 896], sizes = [1024, 128], strides = [1, 1]} : vector<1024x10000xf32> to vector<1024x128xf32>
    %add3A_26 = arith.addf %add3A_24, %slice3A_25 : vector<1024x128xf32>
    %slice3A_27 = vector.extract_strided_slice %exp23A {offsets = [0, 1024], sizes = [1024, 128], strides = [1, 1]} : vector<1024x10000xf32> to vector<1024x128xf32>
    %add3A_28 = arith.addf %add3A_26, %slice3A_27 : vector<1024x128xf32>
    %slice3A_29 = vector.extract_strided_slice %exp23A {offsets = [0, 1152], sizes = [1024, 128], strides = [1, 1]} : vector<1024x10000xf32> to vector<1024x128xf32>
    %add3A_30 = arith.addf %add3A_28, %slice3A_29 : vector<1024x128xf32>
    %slice3A_31 = vector.extract_strided_slice %exp23A {offsets = [0, 1280], sizes = [1024, 128], strides = [1, 1]} : vector<1024x10000xf32> to vector<1024x128xf32>
    %add3A_32 = arith.addf %add3A_30, %slice3A_31 : vector<1024x128xf32>
    %slice3A_33 = vector.extract_strided_slice %exp23A {offsets = [0, 1408], sizes = [1024, 128], strides = [1, 1]} : vector<1024x10000xf32> to vector<1024x128xf32>
    %add3A_34 = arith.addf %add3A_32, %slice3A_33 : vector<1024x128xf32>
    %slice3A_35 = vector.extract_strided_slice %exp23A {offsets = [0, 1536], sizes = [1024, 128], strides = [1, 1]} : vector<1024x10000xf32> to vector<1024x128xf32>
    %add3A_36 = arith.addf %add3A_34, %slice3A_35 : vector<1024x128xf32>
    %slice3A_37 = vector.extract_strided_slice %exp23A {offsets = [0, 1664], sizes = [1024, 128], strides = [1, 1]} : vector<1024x10000xf32> to vector<1024x128xf32>
    %add3A_38 = arith.addf %add3A_36, %slice3A_37 : vector<1024x128xf32>
    %slice3A_39 = vector.extract_strided_slice %exp23A {offsets = [0, 1792], sizes = [1024, 128], strides = [1, 1]} : vector<1024x10000xf32> to vector<1024x128xf32>
    %add3A_40 = arith.addf %add3A_38, %slice3A_39 : vector<1024x128xf32>
    %slice3A_41 = vector.extract_strided_slice %exp23A {offsets = [0, 1920], sizes = [1024, 128], strides = [1, 1]} : vector<1024x10000xf32> to vector<1024x128xf32>
    %add3A_42 = arith.addf %add3A_40, %slice3A_41 : vector<1024x128xf32>
    %slice3A_43 = vector.extract_strided_slice %exp23A {offsets = [0, 2048], sizes = [1024, 128], strides = [1, 1]} : vector<1024x10000xf32> to vector<1024x128xf32>
    %add3A_44 = arith.addf %add3A_42, %slice3A_43 : vector<1024x128xf32>
    %slice3A_45 = vector.extract_strided_slice %exp23A {offsets = [0, 2176], sizes = [1024, 128], strides = [1, 1]} : vector<1024x10000xf32> to vector<1024x128xf32>
    %add3A_46 = arith.addf %add3A_44, %slice3A_45 : vector<1024x128xf32>
    %slice3A_47 = vector.extract_strided_slice %exp23A {offsets = [0, 2304], sizes = [1024, 128], strides = [1, 1]} : vector<1024x10000xf32> to vector<1024x128xf32>
    %add3A_48 = arith.addf %add3A_46, %slice3A_47 : vector<1024x128xf32>
    %slice3A_49 = vector.extract_strided_slice %exp23A {offsets = [0, 2432], sizes = [1024, 128], strides = [1, 1]} : vector<1024x10000xf32> to vector<1024x128xf32>
    %add3A_50 = arith.addf %add3A_48, %slice3A_49 : vector<1024x128xf32>
    %slice3A_51 = vector.extract_strided_slice %exp23A {offsets = [0, 2560], sizes = [1024, 128], strides = [1, 1]} : vector<1024x10000xf32> to vector<1024x128xf32>
    %add3A_52 = arith.addf %add3A_50, %slice3A_51 : vector<1024x128xf32>
    %slice3A_53 = vector.extract_strided_slice %exp23A {offsets = [0, 2688], sizes = [1024, 128], strides = [1, 1]} : vector<1024x10000xf32> to vector<1024x128xf32>
    %add3A_54 = arith.addf %add3A_52, %slice3A_53 : vector<1024x128xf32>
    %slice3A_55 = vector.extract_strided_slice %exp23A {offsets = [0, 2816], sizes = [1024, 128], strides = [1, 1]} : vector<1024x10000xf32> to vector<1024x128xf32>
    %add3A_56 = arith.addf %add3A_54, %slice3A_55 : vector<1024x128xf32>
    %slice3A_57 = vector.extract_strided_slice %exp23A {offsets = [0, 2944], sizes = [1024, 128], strides = [1, 1]} : vector<1024x10000xf32> to vector<1024x128xf32>
    %add3A_58 = arith.addf %add3A_56, %slice3A_57 : vector<1024x128xf32>
    %slice3A_59 = vector.extract_strided_slice %exp23A {offsets = [0, 3072], sizes = [1024, 128], strides = [1, 1]} : vector<1024x10000xf32> to vector<1024x128xf32>
    %add3A_60 = arith.addf %add3A_58, %slice3A_59 : vector<1024x128xf32>
    %slice3A_61 = vector.extract_strided_slice %exp23A {offsets = [0, 3200], sizes = [1024, 128], strides = [1, 1]} : vector<1024x10000xf32> to vector<1024x128xf32>
    %add3A_62 = arith.addf %add3A_60, %slice3A_61 : vector<1024x128xf32>
    %slice3A_63 = vector.extract_strided_slice %exp23A {offsets = [0, 3328], sizes = [1024, 128], strides = [1, 1]} : vector<1024x10000xf32> to vector<1024x128xf32>
    %add3A_64 = arith.addf %add3A_62, %slice3A_63 : vector<1024x128xf32>
    %slice3A_65 = vector.extract_strided_slice %exp23A {offsets = [0, 3456], sizes = [1024, 128], strides = [1, 1]} : vector<1024x10000xf32> to vector<1024x128xf32>
    %add3A_66 = arith.addf %add3A_64, %slice3A_65 : vector<1024x128xf32>
    %slice3A_67 = vector.extract_strided_slice %exp23A {offsets = [0, 3584], sizes = [1024, 128], strides = [1, 1]} : vector<1024x10000xf32> to vector<1024x128xf32>
    %add3A_68 = arith.addf %add3A_66, %slice3A_67 : vector<1024x128xf32>
    %slice3A_69 = vector.extract_strided_slice %exp23A {offsets = [0, 3712], sizes = [1024, 128], strides = [1, 1]} : vector<1024x10000xf32> to vector<1024x128xf32>
    %add3A_70 = arith.addf %add3A_68, %slice3A_69 : vector<1024x128xf32>
    %slice3A_71 = vector.extract_strided_slice %exp23A {offsets = [0, 3840], sizes = [1024, 128], strides = [1, 1]} : vector<1024x10000xf32> to vector<1024x128xf32>
    %add3A_72 = arith.addf %add3A_70, %slice3A_71 : vector<1024x128xf32>
    %slice3A_73 = vector.extract_strided_slice %exp23A {offsets = [0, 3968], sizes = [1024, 128], strides = [1, 1]} : vector<1024x10000xf32> to vector<1024x128xf32>
    %add3A_74 = arith.addf %add3A_72, %slice3A_73 : vector<1024x128xf32>
    %slice3A_75 = vector.extract_strided_slice %exp23A {offsets = [0, 4096], sizes = [1024, 128], strides = [1, 1]} : vector<1024x10000xf32> to vector<1024x128xf32>
    %add3A_76 = arith.addf %add3A_74, %slice3A_75 : vector<1024x128xf32>
    %slice3A_77 = vector.extract_strided_slice %exp23A {offsets = [0, 4224], sizes = [1024, 128], strides = [1, 1]} : vector<1024x10000xf32> to vector<1024x128xf32>
    %add3A_78 = arith.addf %add3A_76, %slice3A_77 : vector<1024x128xf32>
    %slice3A_79 = vector.extract_strided_slice %exp23A {offsets = [0, 4352], sizes = [1024, 128], strides = [1, 1]} : vector<1024x10000xf32> to vector<1024x128xf32>
    %add3A_80 = arith.addf %add3A_78, %slice3A_79 : vector<1024x128xf32>
    %slice3A_81 = vector.extract_strided_slice %exp23A {offsets = [0, 4480], sizes = [1024, 128], strides = [1, 1]} : vector<1024x10000xf32> to vector<1024x128xf32>
    %add3A_82 = arith.addf %add3A_80, %slice3A_81 : vector<1024x128xf32>
    %slice3A_83 = vector.extract_strided_slice %exp23A {offsets = [0, 4608], sizes = [1024, 128], strides = [1, 1]} : vector<1024x10000xf32> to vector<1024x128xf32>
    %add3A_84 = arith.addf %add3A_82, %slice3A_83 : vector<1024x128xf32>
    %slice3A_85 = vector.extract_strided_slice %exp23A {offsets = [0, 4736], sizes = [1024, 128], strides = [1, 1]} : vector<1024x10000xf32> to vector<1024x128xf32>
    %add3A_86 = arith.addf %add3A_84, %slice3A_85 : vector<1024x128xf32>
    %slice3A_87 = vector.extract_strided_slice %exp23A {offsets = [0, 4864], sizes = [1024, 128], strides = [1, 1]} : vector<1024x10000xf32> to vector<1024x128xf32>
    %add3A_88 = arith.addf %add3A_86, %slice3A_87 : vector<1024x128xf32>
    %slice3A_89 = vector.extract_strided_slice %exp23A {offsets = [0, 4992], sizes = [1024, 128], strides = [1, 1]} : vector<1024x10000xf32> to vector<1024x128xf32>
    %add3A_90 = arith.addf %add3A_88, %slice3A_89 : vector<1024x128xf32>
    %slice3A_91 = vector.extract_strided_slice %exp23A {offsets = [0, 5120], sizes = [1024, 128], strides = [1, 1]} : vector<1024x10000xf32> to vector<1024x128xf32>
    %add3A_92 = arith.addf %add3A_90, %slice3A_91 : vector<1024x128xf32>
    %slice3A_93 = vector.extract_strided_slice %exp23A {offsets = [0, 5248], sizes = [1024, 128], strides = [1, 1]} : vector<1024x10000xf32> to vector<1024x128xf32>
    %add3A_94 = arith.addf %add3A_92, %slice3A_93 : vector<1024x128xf32>
    %slice3A_95 = vector.extract_strided_slice %exp23A {offsets = [0, 5376], sizes = [1024, 128], strides = [1, 1]} : vector<1024x10000xf32> to vector<1024x128xf32>
    %add3A_96 = arith.addf %add3A_94, %slice3A_95 : vector<1024x128xf32>
    %slice3A_97 = vector.extract_strided_slice %exp23A {offsets = [0, 5504], sizes = [1024, 128], strides = [1, 1]} : vector<1024x10000xf32> to vector<1024x128xf32>
    %add3A_98 = arith.addf %add3A_96, %slice3A_97 : vector<1024x128xf32>
    %slice3A_99 = vector.extract_strided_slice %exp23A {offsets = [0, 5632], sizes = [1024, 128], strides = [1, 1]} : vector<1024x10000xf32> to vector<1024x128xf32>
    %add3A_100 = arith.addf %add3A_98, %slice3A_99 : vector<1024x128xf32>
    %slice3A_101 = vector.extract_strided_slice %exp23A {offsets = [0, 5760], sizes = [1024, 128], strides = [1, 1]} : vector<1024x10000xf32> to vector<1024x128xf32>
    %add3A_102 = arith.addf %add3A_100, %slice3A_101 : vector<1024x128xf32>
    %slice3A_103 = vector.extract_strided_slice %exp23A {offsets = [0, 5888], sizes = [1024, 128], strides = [1, 1]} : vector<1024x10000xf32> to vector<1024x128xf32>
    %add3A_104 = arith.addf %add3A_102, %slice3A_103 : vector<1024x128xf32>
    %slice3A_105 = vector.extract_strided_slice %exp23A {offsets = [0, 6016], sizes = [1024, 128], strides = [1, 1]} : vector<1024x10000xf32> to vector<1024x128xf32>
    %add3A_106 = arith.addf %add3A_104, %slice3A_105 : vector<1024x128xf32>
    %slice3A_107 = vector.extract_strided_slice %exp23A {offsets = [0, 6144], sizes = [1024, 128], strides = [1, 1]} : vector<1024x10000xf32> to vector<1024x128xf32>
    %add3A_108 = arith.addf %add3A_106, %slice3A_107 : vector<1024x128xf32>
    %slice3A_109 = vector.extract_strided_slice %exp23A {offsets = [0, 6272], sizes = [1024, 128], strides = [1, 1]} : vector<1024x10000xf32> to vector<1024x128xf32>
    %add3A_110 = arith.addf %add3A_108, %slice3A_109 : vector<1024x128xf32>
    %slice3A_111 = vector.extract_strided_slice %exp23A {offsets = [0, 6400], sizes = [1024, 128], strides = [1, 1]} : vector<1024x10000xf32> to vector<1024x128xf32>
    %add3A_112 = arith.addf %add3A_110, %slice3A_111 : vector<1024x128xf32>
    %slice3A_113 = vector.extract_strided_slice %exp23A {offsets = [0, 6528], sizes = [1024, 128], strides = [1, 1]} : vector<1024x10000xf32> to vector<1024x128xf32>
    %add3A_114 = arith.addf %add3A_112, %slice3A_113 : vector<1024x128xf32>
    %slice3A_115 = vector.extract_strided_slice %exp23A {offsets = [0, 6656], sizes = [1024, 128], strides = [1, 1]} : vector<1024x10000xf32> to vector<1024x128xf32>
    %add3A_116 = arith.addf %add3A_114, %slice3A_115 : vector<1024x128xf32>
    %slice3A_117 = vector.extract_strided_slice %exp23A {offsets = [0, 6784], sizes = [1024, 128], strides = [1, 1]} : vector<1024x10000xf32> to vector<1024x128xf32>
    %add3A_118 = arith.addf %add3A_116, %slice3A_117 : vector<1024x128xf32>
    %slice3A_119 = vector.extract_strided_slice %exp23A {offsets = [0, 6912], sizes = [1024, 128], strides = [1, 1]} : vector<1024x10000xf32> to vector<1024x128xf32>
    %add3A_120 = arith.addf %add3A_118, %slice3A_119 : vector<1024x128xf32>
    %slice3A_121 = vector.extract_strided_slice %exp23A {offsets = [0, 7040], sizes = [1024, 128], strides = [1, 1]} : vector<1024x10000xf32> to vector<1024x128xf32>
    %add3A_122 = arith.addf %add3A_120, %slice3A_121 : vector<1024x128xf32>
    %slice3A_123 = vector.extract_strided_slice %exp23A {offsets = [0, 7168], sizes = [1024, 128], strides = [1, 1]} : vector<1024x10000xf32> to vector<1024x128xf32>
    %add3A_124 = arith.addf %add3A_122, %slice3A_123 : vector<1024x128xf32>
    %slice3A_125 = vector.extract_strided_slice %exp23A {offsets = [0, 7296], sizes = [1024, 128], strides = [1, 1]} : vector<1024x10000xf32> to vector<1024x128xf32>
    %add3A_126 = arith.addf %add3A_124, %slice3A_125 : vector<1024x128xf32>
    %slice3A_127 = vector.extract_strided_slice %exp23A {offsets = [0, 7424], sizes = [1024, 128], strides = [1, 1]} : vector<1024x10000xf32> to vector<1024x128xf32>
    %add3A_128 = arith.addf %add3A_126, %slice3A_127 : vector<1024x128xf32>
    %slice3A_129 = vector.extract_strided_slice %exp23A {offsets = [0, 7552], sizes = [1024, 128], strides = [1, 1]} : vector<1024x10000xf32> to vector<1024x128xf32>
    %add3A_130 = arith.addf %add3A_128, %slice3A_129 : vector<1024x128xf32>
    %slice3A_131 = vector.extract_strided_slice %exp23A {offsets = [0, 7680], sizes = [1024, 128], strides = [1, 1]} : vector<1024x10000xf32> to vector<1024x128xf32>
    %add3A_132 = arith.addf %add3A_130, %slice3A_131 : vector<1024x128xf32>
    %slice3A_133 = vector.extract_strided_slice %exp23A {offsets = [0, 7808], sizes = [1024, 128], strides = [1, 1]} : vector<1024x10000xf32> to vector<1024x128xf32>
    %add3A_134 = arith.addf %add3A_132, %slice3A_133 : vector<1024x128xf32>
    %slice3A_135 = vector.extract_strided_slice %exp23A {offsets = [0, 7936], sizes = [1024, 128], strides = [1, 1]} : vector<1024x10000xf32> to vector<1024x128xf32>
    %add3A_136 = arith.addf %add3A_134, %slice3A_135 : vector<1024x128xf32>
    %slice3A_137 = vector.extract_strided_slice %exp23A {offsets = [0, 8064], sizes = [1024, 128], strides = [1, 1]} : vector<1024x10000xf32> to vector<1024x128xf32>
    %add3A_138 = arith.addf %add3A_136, %slice3A_137 : vector<1024x128xf32>
    %slice3A_139 = vector.extract_strided_slice %exp23A {offsets = [0, 8192], sizes = [1024, 128], strides = [1, 1]} : vector<1024x10000xf32> to vector<1024x128xf32>
    %add3A_140 = arith.addf %add3A_138, %slice3A_139 : vector<1024x128xf32>
    %slice3A_141 = vector.extract_strided_slice %exp23A {offsets = [0, 8320], sizes = [1024, 128], strides = [1, 1]} : vector<1024x10000xf32> to vector<1024x128xf32>
    %add3A_142 = arith.addf %add3A_140, %slice3A_141 : vector<1024x128xf32>
    %slice3A_143 = vector.extract_strided_slice %exp23A {offsets = [0, 8448], sizes = [1024, 128], strides = [1, 1]} : vector<1024x10000xf32> to vector<1024x128xf32>
    %add3A_144 = arith.addf %add3A_142, %slice3A_143 : vector<1024x128xf32>
    %slice3A_145 = vector.extract_strided_slice %exp23A {offsets = [0, 8576], sizes = [1024, 128], strides = [1, 1]} : vector<1024x10000xf32> to vector<1024x128xf32>
    %add3A_146 = arith.addf %add3A_144, %slice3A_145 : vector<1024x128xf32>
    %slice3A_147 = vector.extract_strided_slice %exp23A {offsets = [0, 8704], sizes = [1024, 128], strides = [1, 1]} : vector<1024x10000xf32> to vector<1024x128xf32>
    %add3A_148 = arith.addf %add3A_146, %slice3A_147 : vector<1024x128xf32>
    %slice3A_149 = vector.extract_strided_slice %exp23A {offsets = [0, 8832], sizes = [1024, 128], strides = [1, 1]} : vector<1024x10000xf32> to vector<1024x128xf32>
    %add3A_150 = arith.addf %add3A_148, %slice3A_149 : vector<1024x128xf32>
    %slice3A_151 = vector.extract_strided_slice %exp23A {offsets = [0, 8960], sizes = [1024, 128], strides = [1, 1]} : vector<1024x10000xf32> to vector<1024x128xf32>
    %add3A_152 = arith.addf %add3A_150, %slice3A_151 : vector<1024x128xf32>
    %slice3A_153 = vector.extract_strided_slice %exp23A {offsets = [0, 9088], sizes = [1024, 128], strides = [1, 1]} : vector<1024x10000xf32> to vector<1024x128xf32>
    %add3A_154 = arith.addf %add3A_152, %slice3A_153 : vector<1024x128xf32>
    %slice3A_155 = vector.extract_strided_slice %exp23A {offsets = [0, 9216], sizes = [1024, 128], strides = [1, 1]} : vector<1024x10000xf32> to vector<1024x128xf32>
    %add3A_156 = arith.addf %add3A_154, %slice3A_155 : vector<1024x128xf32>
    %slice3A_157 = vector.extract_strided_slice %exp23A {offsets = [0, 9344], sizes = [1024, 128], strides = [1, 1]} : vector<1024x10000xf32> to vector<1024x128xf32>
    %add3A_158 = arith.addf %add3A_156, %slice3A_157 : vector<1024x128xf32>
    %slice3A_159 = vector.extract_strided_slice %exp23A {offsets = [0, 9472], sizes = [1024, 128], strides = [1, 1]} : vector<1024x10000xf32> to vector<1024x128xf32>
    %add3A_160 = arith.addf %add3A_158, %slice3A_159 : vector<1024x128xf32>
    %slice3A_161 = vector.extract_strided_slice %exp23A {offsets = [0, 9600], sizes = [1024, 128], strides = [1, 1]} : vector<1024x10000xf32> to vector<1024x128xf32>
    %add3A_162 = arith.addf %add3A_160, %slice3A_161 : vector<1024x128xf32>
    %slice3A_163 = vector.extract_strided_slice %exp23A {offsets = [0, 9728], sizes = [1024, 128], strides = [1, 1]} : vector<1024x10000xf32> to vector<1024x128xf32>
    %add3A_164 = arith.addf %add3A_162, %slice3A_163 : vector<1024x128xf32>
    %slice3A_165 = vector.extract_strided_slice %exp23A {offsets = [0, 9856], sizes = [1024, 128], strides = [1, 1]} : vector<1024x10000xf32> to vector<1024x128xf32>
    %add3A_166 = arith.addf %add3A_164, %slice3A_165 : vector<1024x128xf32>
    %add3A_167 = arith.addf %select_n3A, %add3A_166 : vector<1024x128xf32>
    %slice3A_168 = vector.extract_strided_slice %add3A_167 {offsets = [0, 0], sizes = [1024, 16], strides = [1, 1]} : vector<1024x128xf32> to vector<1024x16xf32>
    %slice3A_169 = vector.extract_strided_slice %exp23A {offsets = [0, 9984], sizes = [1024, 16], strides = [1, 1]} : vector<1024x10000xf32> to vector<1024x16xf32>
    %add3A_170 = arith.addf %slice3A_168, %slice3A_169 : vector<1024x16xf32>
    %slice3A_171 = vector.extract_strided_slice %add3A_167 {offsets = [0, 16], sizes = [1024, 112], strides = [1, 1]} : vector<1024x128xf32> to vector<1024x112xf32>
    %concatenate3A = tpu.concatenate %add3A_170, %slice3A_171 in 1 : vector<1024x16xf32>, vector<1024x112xf32> -> vector<1024x128xf32>
    %swap3A = arith.constant 0 : index
    %swap3A_172 = arith.constant 0 : index
    %swap3A_173 = vector.load %arg3[%swap3A, %swap3A_172] : memref<1024x128xf32, #tpu.memory_space<vmem>>, vector<1024x128xf32>
    tpu.vector_store %arg3[%swap3A, %swap3A_172], %concatenate3A {strides = array<i32>} : memref<1024x128xf32, #tpu.memory_space<vmem>>, vector<1024x128xf32>,
    return
  }
  func.func @transform_0(%arg0: i32) -> (i32, i32) {
    %c0_i32 = arith.constant 0 : i32
    %c0_i32_0 = arith.constant 0 : i32
    %c0_i32_1 = arith.constant 0 : i32
    return %c0_i32, %c0_i32_0 : i32, i32
  }
  func.func @transform_1(%arg0: i32) -> (i32, i32) {
    %c0_i32 = arith.constant 0 : i32
    %c0_i32_0 = arith.constant 0 : i32
    return %arg0, %c0_i32 : i32, i32
  }
  func.func @transform_2(%arg0: i32) -> (i32, i32) {
    %c0_i32 = arith.constant 0 : i32
    %c0_i32_0 = arith.constant 0 : i32
    %c0_i32_1 = arith.constant 0 : i32
    return %c0_i32, %c0_i32_0 : i32, i32
  }
}

module attributes {stable_mosaic.version = 14 : i64} {
  func.func @_combine_body(%arg0: memref<1024x128xf32, #tpu.memory_space<vmem>>, %arg1: memref<5000x128xf32, #tpu.memory_space<vmem>>, %arg2: memref<1024x128xf32, #tpu.memory_space<vmem>>, %arg3: memref<1024xf32, #tpu.memory_space<vmem>>, %arg4: memref<1024x128xf32, #tpu.memory_space<vmem>>, %arg5: memref<1x1xf32, #tpu.memory_space<vmem>>) attributes {dimension_semantics = [], scalar_prefetch = 0 : i64, scratch_operands = 0 : i64, tpu.core_type = #tpu.core_type<tc>} {
    %get3A = arith.constant 0 : index
    %get3A_0 = arith.constant 0 : index
    %get3A_1 = vector.load %arg0[%get3A, %get3A_0] : memref<1024x128xf32, #tpu.memory_space<vmem>>, vector<1024x128xf32>
    %mul3A = arith.constant 43.2808495 : f32
    %mul3A_2 = vector.broadcast %mul3A : f32 to vector<1024x128xf32>
    %mul3A_3 = arith.mulf %get3A_1, %mul3A_2 : vector<1024x128xf32>
    %convert_element_type3A = arith.truncf %mul3A_3 : vector<1024x128xf32> to vector<1024x128xbf16>
    %get3A_4 = arith.constant 0 : index
    %get3A_5 = arith.constant 0 : index
    %get3A_6 = vector.load %arg1[%get3A_4, %get3A_5] : memref<5000x128xf32, #tpu.memory_space<vmem>>, vector<5000x128xf32>
    %convert_element_type3A_7 = arith.truncf %get3A_6 : vector<5000x128xf32> to vector<5000x128xbf16>
    %dot_general3A = arith.constant dense<0.000000e+00> : vector<1024x5000xf32>
    %dot_general3A_8 = tpu.matmul %convert_element_type3A, %convert_element_type3A_7, %dot_general3A {dimension_numbers = #tpu.dot_dimension_numbers<[1], [1], [0], [0], [0, 0, 1, 0], [], []>, transpose_lhs_hint = false} : vector<1024x128xbf16>, vector<5000x128xbf16>, vector<1024x5000xf32> -> vector<1024x5000xf32>
    %exp23A = math.exp2 %dot_general3A_8 : vector<1024x5000xf32>
    %get3A_9 = arith.constant 0 : index
    %get3A_10 = arith.constant 0 : index
    %get3A_11 = vector.load %arg4[%get3A_9, %get3A_10] : memref<1024x128xf32, #tpu.memory_space<vmem>>, vector<1024x128xf32>
    %slice3A = vector.extract_strided_slice %exp23A {offsets = [0, 0], sizes = [1024, 128], strides = [1, 1]} : vector<1024x5000xf32> to vector<1024x128xf32>
    %slice3A_12 = vector.extract_strided_slice %exp23A {offsets = [0, 128], sizes = [1024, 128], strides = [1, 1]} : vector<1024x5000xf32> to vector<1024x128xf32>
    %add3A = arith.addf %slice3A, %slice3A_12 : vector<1024x128xf32>
    %slice3A_13 = vector.extract_strided_slice %exp23A {offsets = [0, 256], sizes = [1024, 128], strides = [1, 1]} : vector<1024x5000xf32> to vector<1024x128xf32>
    %add3A_14 = arith.addf %add3A, %slice3A_13 : vector<1024x128xf32>
    %slice3A_15 = vector.extract_strided_slice %exp23A {offsets = [0, 384], sizes = [1024, 128], strides = [1, 1]} : vector<1024x5000xf32> to vector<1024x128xf32>
    %add3A_16 = arith.addf %add3A_14, %slice3A_15 : vector<1024x128xf32>
    %slice3A_17 = vector.extract_strided_slice %exp23A {offsets = [0, 512], sizes = [1024, 128], strides = [1, 1]} : vector<1024x5000xf32> to vector<1024x128xf32>
    %add3A_18 = arith.addf %add3A_16, %slice3A_17 : vector<1024x128xf32>
    %slice3A_19 = vector.extract_strided_slice %exp23A {offsets = [0, 640], sizes = [1024, 128], strides = [1, 1]} : vector<1024x5000xf32> to vector<1024x128xf32>
    %add3A_20 = arith.addf %add3A_18, %slice3A_19 : vector<1024x128xf32>
    %slice3A_21 = vector.extract_strided_slice %exp23A {offsets = [0, 768], sizes = [1024, 128], strides = [1, 1]} : vector<1024x5000xf32> to vector<1024x128xf32>
    %add3A_22 = arith.addf %add3A_20, %slice3A_21 : vector<1024x128xf32>
    %slice3A_23 = vector.extract_strided_slice %exp23A {offsets = [0, 896], sizes = [1024, 128], strides = [1, 1]} : vector<1024x5000xf32> to vector<1024x128xf32>
    %add3A_24 = arith.addf %add3A_22, %slice3A_23 : vector<1024x128xf32>
    %slice3A_25 = vector.extract_strided_slice %exp23A {offsets = [0, 1024], sizes = [1024, 128], strides = [1, 1]} : vector<1024x5000xf32> to vector<1024x128xf32>
    %add3A_26 = arith.addf %add3A_24, %slice3A_25 : vector<1024x128xf32>
    %slice3A_27 = vector.extract_strided_slice %exp23A {offsets = [0, 1152], sizes = [1024, 128], strides = [1, 1]} : vector<1024x5000xf32> to vector<1024x128xf32>
    %add3A_28 = arith.addf %add3A_26, %slice3A_27 : vector<1024x128xf32>
    %slice3A_29 = vector.extract_strided_slice %exp23A {offsets = [0, 1280], sizes = [1024, 128], strides = [1, 1]} : vector<1024x5000xf32> to vector<1024x128xf32>
    %add3A_30 = arith.addf %add3A_28, %slice3A_29 : vector<1024x128xf32>
    %slice3A_31 = vector.extract_strided_slice %exp23A {offsets = [0, 1408], sizes = [1024, 128], strides = [1, 1]} : vector<1024x5000xf32> to vector<1024x128xf32>
    %add3A_32 = arith.addf %add3A_30, %slice3A_31 : vector<1024x128xf32>
    %slice3A_33 = vector.extract_strided_slice %exp23A {offsets = [0, 1536], sizes = [1024, 128], strides = [1, 1]} : vector<1024x5000xf32> to vector<1024x128xf32>
    %add3A_34 = arith.addf %add3A_32, %slice3A_33 : vector<1024x128xf32>
    %slice3A_35 = vector.extract_strided_slice %exp23A {offsets = [0, 1664], sizes = [1024, 128], strides = [1, 1]} : vector<1024x5000xf32> to vector<1024x128xf32>
    %add3A_36 = arith.addf %add3A_34, %slice3A_35 : vector<1024x128xf32>
    %slice3A_37 = vector.extract_strided_slice %exp23A {offsets = [0, 1792], sizes = [1024, 128], strides = [1, 1]} : vector<1024x5000xf32> to vector<1024x128xf32>
    %add3A_38 = arith.addf %add3A_36, %slice3A_37 : vector<1024x128xf32>
    %slice3A_39 = vector.extract_strided_slice %exp23A {offsets = [0, 1920], sizes = [1024, 128], strides = [1, 1]} : vector<1024x5000xf32> to vector<1024x128xf32>
    %add3A_40 = arith.addf %add3A_38, %slice3A_39 : vector<1024x128xf32>
    %slice3A_41 = vector.extract_strided_slice %exp23A {offsets = [0, 2048], sizes = [1024, 128], strides = [1, 1]} : vector<1024x5000xf32> to vector<1024x128xf32>
    %add3A_42 = arith.addf %add3A_40, %slice3A_41 : vector<1024x128xf32>
    %slice3A_43 = vector.extract_strided_slice %exp23A {offsets = [0, 2176], sizes = [1024, 128], strides = [1, 1]} : vector<1024x5000xf32> to vector<1024x128xf32>
    %add3A_44 = arith.addf %add3A_42, %slice3A_43 : vector<1024x128xf32>
    %slice3A_45 = vector.extract_strided_slice %exp23A {offsets = [0, 2304], sizes = [1024, 128], strides = [1, 1]} : vector<1024x5000xf32> to vector<1024x128xf32>
    %add3A_46 = arith.addf %add3A_44, %slice3A_45 : vector<1024x128xf32>
    %slice3A_47 = vector.extract_strided_slice %exp23A {offsets = [0, 2432], sizes = [1024, 128], strides = [1, 1]} : vector<1024x5000xf32> to vector<1024x128xf32>
    %add3A_48 = arith.addf %add3A_46, %slice3A_47 : vector<1024x128xf32>
    %slice3A_49 = vector.extract_strided_slice %exp23A {offsets = [0, 2560], sizes = [1024, 128], strides = [1, 1]} : vector<1024x5000xf32> to vector<1024x128xf32>
    %add3A_50 = arith.addf %add3A_48, %slice3A_49 : vector<1024x128xf32>
    %slice3A_51 = vector.extract_strided_slice %exp23A {offsets = [0, 2688], sizes = [1024, 128], strides = [1, 1]} : vector<1024x5000xf32> to vector<1024x128xf32>
    %add3A_52 = arith.addf %add3A_50, %slice3A_51 : vector<1024x128xf32>
    %slice3A_53 = vector.extract_strided_slice %exp23A {offsets = [0, 2816], sizes = [1024, 128], strides = [1, 1]} : vector<1024x5000xf32> to vector<1024x128xf32>
    %add3A_54 = arith.addf %add3A_52, %slice3A_53 : vector<1024x128xf32>
    %slice3A_55 = vector.extract_strided_slice %exp23A {offsets = [0, 2944], sizes = [1024, 128], strides = [1, 1]} : vector<1024x5000xf32> to vector<1024x128xf32>
    %add3A_56 = arith.addf %add3A_54, %slice3A_55 : vector<1024x128xf32>
    %slice3A_57 = vector.extract_strided_slice %exp23A {offsets = [0, 3072], sizes = [1024, 128], strides = [1, 1]} : vector<1024x5000xf32> to vector<1024x128xf32>
    %add3A_58 = arith.addf %add3A_56, %slice3A_57 : vector<1024x128xf32>
    %slice3A_59 = vector.extract_strided_slice %exp23A {offsets = [0, 3200], sizes = [1024, 128], strides = [1, 1]} : vector<1024x5000xf32> to vector<1024x128xf32>
    %add3A_60 = arith.addf %add3A_58, %slice3A_59 : vector<1024x128xf32>
    %slice3A_61 = vector.extract_strided_slice %exp23A {offsets = [0, 3328], sizes = [1024, 128], strides = [1, 1]} : vector<1024x5000xf32> to vector<1024x128xf32>
    %add3A_62 = arith.addf %add3A_60, %slice3A_61 : vector<1024x128xf32>
    %slice3A_63 = vector.extract_strided_slice %exp23A {offsets = [0, 3456], sizes = [1024, 128], strides = [1, 1]} : vector<1024x5000xf32> to vector<1024x128xf32>
    %add3A_64 = arith.addf %add3A_62, %slice3A_63 : vector<1024x128xf32>
    %slice3A_65 = vector.extract_strided_slice %exp23A {offsets = [0, 3584], sizes = [1024, 128], strides = [1, 1]} : vector<1024x5000xf32> to vector<1024x128xf32>
    %add3A_66 = arith.addf %add3A_64, %slice3A_65 : vector<1024x128xf32>
    %slice3A_67 = vector.extract_strided_slice %exp23A {offsets = [0, 3712], sizes = [1024, 128], strides = [1, 1]} : vector<1024x5000xf32> to vector<1024x128xf32>
    %add3A_68 = arith.addf %add3A_66, %slice3A_67 : vector<1024x128xf32>
    %slice3A_69 = vector.extract_strided_slice %exp23A {offsets = [0, 3840], sizes = [1024, 128], strides = [1, 1]} : vector<1024x5000xf32> to vector<1024x128xf32>
    %add3A_70 = arith.addf %add3A_68, %slice3A_69 : vector<1024x128xf32>
    %slice3A_71 = vector.extract_strided_slice %exp23A {offsets = [0, 3968], sizes = [1024, 128], strides = [1, 1]} : vector<1024x5000xf32> to vector<1024x128xf32>
    %add3A_72 = arith.addf %add3A_70, %slice3A_71 : vector<1024x128xf32>
    %slice3A_73 = vector.extract_strided_slice %exp23A {offsets = [0, 4096], sizes = [1024, 128], strides = [1, 1]} : vector<1024x5000xf32> to vector<1024x128xf32>
    %add3A_74 = arith.addf %add3A_72, %slice3A_73 : vector<1024x128xf32>
    %slice3A_75 = vector.extract_strided_slice %exp23A {offsets = [0, 4224], sizes = [1024, 128], strides = [1, 1]} : vector<1024x5000xf32> to vector<1024x128xf32>
    %add3A_76 = arith.addf %add3A_74, %slice3A_75 : vector<1024x128xf32>
    %slice3A_77 = vector.extract_strided_slice %exp23A {offsets = [0, 4352], sizes = [1024, 128], strides = [1, 1]} : vector<1024x5000xf32> to vector<1024x128xf32>
    %add3A_78 = arith.addf %add3A_76, %slice3A_77 : vector<1024x128xf32>
    %slice3A_79 = vector.extract_strided_slice %exp23A {offsets = [0, 4480], sizes = [1024, 128], strides = [1, 1]} : vector<1024x5000xf32> to vector<1024x128xf32>
    %add3A_80 = arith.addf %add3A_78, %slice3A_79 : vector<1024x128xf32>
    %slice3A_81 = vector.extract_strided_slice %exp23A {offsets = [0, 4608], sizes = [1024, 128], strides = [1, 1]} : vector<1024x5000xf32> to vector<1024x128xf32>
    %add3A_82 = arith.addf %add3A_80, %slice3A_81 : vector<1024x128xf32>
    %slice3A_83 = vector.extract_strided_slice %exp23A {offsets = [0, 4736], sizes = [1024, 128], strides = [1, 1]} : vector<1024x5000xf32> to vector<1024x128xf32>
    %add3A_84 = arith.addf %add3A_82, %slice3A_83 : vector<1024x128xf32>
    %slice3A_85 = vector.extract_strided_slice %exp23A {offsets = [0, 4864], sizes = [1024, 128], strides = [1, 1]} : vector<1024x5000xf32> to vector<1024x128xf32>
    %add3A_86 = arith.addf %add3A_84, %slice3A_85 : vector<1024x128xf32>
    %add3A_87 = arith.addf %get3A_11, %add3A_86 : vector<1024x128xf32>
    %slice3A_88 = vector.extract_strided_slice %add3A_87 {offsets = [0, 0], sizes = [1024, 8], strides = [1, 1]} : vector<1024x128xf32> to vector<1024x8xf32>
    %slice3A_89 = vector.extract_strided_slice %exp23A {offsets = [0, 4992], sizes = [1024, 8], strides = [1, 1]} : vector<1024x5000xf32> to vector<1024x8xf32>
    %add3A_90 = arith.addf %slice3A_88, %slice3A_89 : vector<1024x8xf32>
    %slice3A_91 = vector.extract_strided_slice %add3A_87 {offsets = [0, 8], sizes = [1024, 120], strides = [1, 1]} : vector<1024x128xf32> to vector<1024x120xf32>
    %concatenate3A = tpu.concatenate %add3A_90, %slice3A_91 in 1 : vector<1024x8xf32>, vector<1024x120xf32> -> vector<1024x128xf32>
    %reduce_sum3A = arith.constant dense<0.000000e+00> : vector<1024xf32>
    %reduce_sum3A_92 = vector.multi_reduction <add>, %concatenate3A, %reduce_sum3A [1] : vector<1024x128xf32> to vector<1024xf32>
    %broadcast_in_dim3A = vector.shape_cast %reduce_sum3A_92 : vector<1024xf32> to vector<1024x1xf32>
    %get3A_93 = arith.constant 0 : index
    %get3A_94 = arith.constant 0 : index
    %get3A_95 = vector.load %arg2[%get3A_93, %get3A_94] : memref<1024x128xf32, #tpu.memory_space<vmem>>, vector<1024x128xf32>
    %mul3A_96 = arith.mulf %get3A_1, %get3A_95 : vector<1024x128xf32>
    %reduce_sum3A_97 = arith.constant dense<0.000000e+00> : vector<1024xf32>
    %reduce_sum3A_98 = vector.multi_reduction <add>, %mul3A_96, %reduce_sum3A_97 [1] : vector<1024x128xf32> to vector<1024xf32>
    %broadcast_in_dim3A_99 = vector.shape_cast %reduce_sum3A_98 : vector<1024xf32> to vector<1024x1xf32>
    %mul3A_100 = arith.constant 3.000000e+01 : f32
    %mul3A_101 = vector.broadcast %mul3A_100 : f32 to vector<1024x1xf32>
    %mul3A_102 = arith.mulf %mul3A_101, %broadcast_in_dim3A_99 : vector<1024x1xf32>
    %log3A = math.log %broadcast_in_dim3A : vector<1024x1xf32>
    %sub3A = arith.subf %log3A, %mul3A_102 : vector<1024x1xf32>
    %get3A_103 = arith.constant 0 : index
    %get3A_104 = vector.load %arg3[%get3A_103] : memref<1024xf32, #tpu.memory_space<vmem>>, vector<1024xf32>
    %reshape3A = vector.shape_cast %get3A_104 : vector<1024xf32> to vector<1x1024xf32>
    %dot_general3A_105 = arith.constant dense<0.000000e+00> : vector<1x1xf32>
    %dot_general3A_106 = tpu.matmul %reshape3A, %sub3A, %dot_general3A_105 {dimension_numbers = #tpu.dot_dimension_numbers<[1], [0], [0], [1], [0, 0, 1, 1], [], []>, transpose_lhs_hint = false} : vector<1x1024xf32>, vector<1024x1xf32>, vector<1x1xf32> -> vector<1x1xf32>
    %reduce_sum3A_107 = arith.constant dense<0.000000e+00> : vector<1xf32>
    %reduce_sum3A_108 = vector.multi_reduction <add>, %reshape3A, %reduce_sum3A_107 [1] : vector<1x1024xf32> to vector<1xf32>
    %broadcast_in_dim3A_109 = vector.shape_cast %reduce_sum3A_108 : vector<1xf32> to vector<1x1xf32>
    %max3A = arith.constant 1.000000e+00 : f32
    %max3A_110 = vector.broadcast %max3A : f32 to vector<1x1xf32>
    %max3A_111 = arith.maximumf %broadcast_in_dim3A_109, %max3A_110 : vector<1x1xf32>
    %div3A = arith.divf %dot_general3A_106, %max3A_111 : vector<1x1xf32>
    %swap3A = arith.constant 0 : index
    %swap3A_112 = arith.constant 0 : index
    %swap3A_113 = vector.load %arg5[%swap3A, %swap3A_112] : memref<1x1xf32, #tpu.memory_space<vmem>>, vector<1x1xf32>
    tpu.vector_store %arg5[%swap3A, %swap3A_112], %div3A {strides = array<i32>} : memref<1x1xf32, #tpu.memory_space<vmem>>, vector<1x1xf32>,
    return
  }
}

</mosaic_0001>

<sc_bundles>
// kernel: kernel.5.cloned.1.call-start
scs
__scs_entry_jumppad:
0x0: {  	(pc) =	sbr.rel $0x88, $3  }
0x1: {  	(tag) =	ssettag $0x0;
	lr =	simm.s32 $0x1  }
0x2: {  	[smem:$0x3F9D] =	sst lr;
	_ =	strace $0xD0000000  }
0x3: {  	_ = 	snop  }
0x4: {  	_ = 	snop  }
0x5: {  	_ = 	snop  }
0x6: {  	_ = 	snop  }
0x7: {  	_ = 	snop  }
__scs_overlays_trampoline_lowered:
0x8: {  	[smem:$0x3FAC] =	sst s0  }
0x9: {  	[smem:$0x3FAD] =	sst s1  }
0xa: {  	[smem:$0x3FAE] =	sst s2  }
0xb: {  	[smem:$0x3FAF] =	sst s3  }
0xc: {  	[smem:$0x3FB0] =	sst s4  }
0xd: {  	[smem:$0x3FB1] =	sst s5  }
0xe: {  	[smem:$0x3FB2] =	sst s6  }
0xf: {  	[smem:$0x3FB3] =	sst s7  }
0x10: {  	[smem:$0x3FB4] =	sst s8  }
0x11: {  	[smem:$0x3FB5] =	sst s9;
	s0 =	simm.s32 @!p0 $0x0  }
0x12: {  	s1 =	sld [smem:$0x3F9B];
	s0 =	simm.s32 @p0 $0x1  }
0x13: {  	[smem:$0x3FB6] =	sst s0;
	s0 =	simm.s32 @!p1 $0x0  }
0x14: {  	s2 =	sld [smem:$0x3F9A];
	s0 =	simm.s32 @p1 $0x1  }
0x15: {  	[smem:$0x3FB7] =	sst s0;
	s0 =	simm.s32 @!p2 $0x0  }
0x16: {  	s3 =	sld [smem:$0x3FDB];
	s0 =	simm.s32 @p2 $0x1  }
0x17: {  	s4 =	simm.s32 $0x1BF5;
	[smem:$0x3FB9] =	sst s0  }
0x18: {  	s0 =	sld [smem:$0x3F9C];
	_ =	swait.ge [sflag:s4], $0x0  }
0x19: {  	s7 =	sld [smem:$0x3F9D]  }
0x1a: {  	s8 =	sadd.s32 $0xFFFFE003, lr  }
0x1b: {  	s9 =	sadd.s32 $0xFFFFFEF7, lr;
	s5 =	simm.s32 $0xFFFFFFFF;
	p2 =	slt.u32 s8, $0xFFFFF086  }
0x1c: {  	p1 =	slt.u32 s9, $0xF7A;
	s5 =	simm.s32 @!p2 $0x0  }
0x1d: {  	s5 =	simm.s32 @p1 $0x1;
	p0 =	seq.s32 s7, s2  }
0x1e: {  	s7 =	smul.u32 @!p0 $0xF7A, s2;
	p2 =	seq.s32 @!p0 s5, $0x0  }
0x1f: {  	s9 =	smul.u32 $0xF7A, s1;
	s8 =	simm.s32 @!p0 $0x1BF5;
	p2 =	por !p2, p0  }
0x20: {  	[sflag:s8] =	ssyncset.s32 @!p0 $0xFFFFF086;
	s6 =	sadd.s32 @!p0 s3, s7;
	s7 =	simm.s32 @!p0 $0x108  }
0x21: {  	s3 =	sadd.s32 s3, s9;
	s6 =	sadd.s32 @!p0 $0x88, s6;
	s7 =	simm.s32 @p2 $0x1082  }
0x22: {  	[simem:s7], [sflag:s8] =	dma.local @!p0 [hbm:s6], $0xF7A  }
0x23: {  	s9 =	sor.u32 $0xD0000000, s2;
	s6 =	simm.s32 $0x108;
	_ =	swait.ge @!p0 [sflag:s8], $0x0  }
0x24: {  	s3 =	sadd.s32 $0x88, s3;
	s6 =	simm.s32 @!p1 $0x1082;
	[sflag:s4] =	ssyncset.s32 $0xFFFFF086  }
0x25: {  	[simem:s6], [sflag:s4] =	dma.local [hbm:s3], $0xF7A  }
0x26: {  	[smem:$0x3F9D] =	sst s1;
	(tag) =	ssettag s2;
	_ =	strace s9  }
0x27: {  	s1 =	sld [smem:$0x3FAD]  }
0x28: {  	s2 =	sld [smem:$0x3FAE]  }
0x29: {  	s4 =	sld [smem:$0x3FB0]  }
0x2a: {  	p0 =	seq.s32 s5, $0x0;
	s5 =	sld [smem:$0x3FB1]  }
0x2b: {  	s6 =	sld [smem:$0x3FB2]  }
0x2c: {  	s7 =	sld [smem:$0x3FB3]  }
0x2d: {  	s3 =	simm.s32 $0x108;
	s8 =	sld [smem:$0x3FB4]  }
0x2e: {  	s3 =	simm.s32 @!p0 $0x1082;
	s9 =	sld [smem:$0x3FB5]  }
0x2f: {  	lr =	sadd.s32 s0, s3;
	s0 =	sld [smem:$0x3FAC]  }
0x30: {  	s3 =	sld [smem:$0x3FAF]  }
0x31: {  	[smem:$0x3FB8] =	sst s10  }
0x32: {  	s10 =	sld [smem:$0x3FB6];
	_ =	sdelay $0x3  }
0x33: {  	p0 =	seq.s32 s10, $0x1;
	s10 =	sld [smem:$0x3FB8];
	_ =	sdelay $0x3  }
0x34: {  	[smem:$0x3FB8] =	sst s10  }
0x35: {  	s10 =	sld [smem:$0x3FB7];
	_ =	sdelay $0x3  }
0x36: {  	p1 =	seq.s32 s10, $0x1;
	s10 =	sld [smem:$0x3FB8];
	_ =	sdelay $0x3  }
0x37: {  	[smem:$0x3FB8] =	sst s10  }
0x38: {  	s10 =	sld [smem:$0x3FB9]  }
0x39: {  	_ = 	snop;
	(pc) =	sbr.ind lr, $3  }
0x3a: {  	_ = 	snop  }
0x3b: {  	_ = 	snop  }
0x3c: {  	p2 =	seq.s32 s10, $0x1;
	s10 =	sld [smem:$0x3FB8]  }
0x3d: {  	_ =	shalt  }
0x3e: {  	_ =	shalt  }
0x3f: {  	_ =	shalt  }
0x40: {  	_ =	shalt  }
0x41: {  	_ =	shalt  }
0x42: {  	_ =	shalt  }
0x43: {  	_ =	shalt  }
0x44: {  	_ =	shalt  }
0x45: {  	_ =	shalt  }
0x46: {  	_ =	shalt  }
0x47: {  	_ =	shalt  }
0x48: {  	_ =	shalt  }
0x49: {  	_ =	shalt  }
0x4a: {  	_ =	shalt  }
0x4b: {  	_ =	shalt  }
0x4c: {  	_ =	shalt  }
0x4d: {  	_ =	shalt  }
0x4e: {  	_ =	shalt  }
0x4f: {  	_ =	shalt  }
0x50: {  	_ =	shalt  }
0x51: {  	_ =	shalt  }
0x52: {  	_ =	shalt  }
0x53: {  	_ =	shalt  }
0x54: {  	_ =	shalt  }
0x55: {  	_ =	shalt  }
0x56: {  	_ =	shalt  }
0x57: {  	_ =	shalt  }
0x58: {  	_ =	shalt  }
0x59: {  	_ =	shalt  }
0x5a: {  	_ =	shalt  }
0x5b: {  	_ =	shalt  }
0x5c: {  	_ =	shalt  }
0x5d: {  	_ =	shalt  }
0x5e: {  	_ =	shalt  }
0x5f: {  	_ =	shalt  }
0x60: {  	_ =	shalt  }
0x61: {  	_ =	shalt  }
0x62: {  	_ =	shalt  }
0x63: {  	_ =	shalt  }
0x64: {  	_ =	shalt  }
0x65: {  	_ =	shalt  }
0x66: {  	_ =	shalt  }
0x67: {  	_ =	shalt  }
0x68: {  	_ =	shalt  }
0x69: {  	_ =	shalt  }
0x6a: {  	_ =	shalt  }
0x6b: {  	_ =	shalt  }
0x6c: {  	_ =	shalt  }
0x6d: {  	_ =	shalt  }
0x6e: {  	_ =	shalt  }
0x6f: {  	_ =	shalt  }
0x70: {  	_ =	shalt  }
0x71: {  	_ =	shalt  }
0x72: {  	_ =	shalt  }
0x73: {  	_ =	shalt  }
0x74: {  	_ =	shalt  }
0x75: {  	_ =	shalt  }
0x76: {  	_ =	shalt  }
0x77: {  	_ =	shalt  }
0x78: {  	_ =	shalt  }
0x79: {  	_ =	shalt  }
0x7a: {  	_ =	shalt  }
0x7b: {  	_ =	shalt  }
0x7c: {  	_ =	shalt  }
0x7d: {  	_ =	shalt  }
0x7e: {  	_ =	shalt  }
0x7f: {  	_ =	shalt  }
0x80: {  	_ =	shalt  }
0x81: {  	_ =	shalt  }
0x82: {  	_ =	shalt  }
0x83: {  	_ =	shalt  }
0x84: {  	_ =	shalt  }
0x85: {  	_ =	shalt  }
0x86: {  	_ =	shalt  }
0x87: {  	_ =	shalt  }
.Lfunc_end0:
.L_simem_size_0:
called_computation_lowered:
.L_overlay_start_0:
0x88: {  	s0 =	sld [smem:$0x3FD9]  }
0x89: {  	s1 =	sld [smem:$0x3FFE];
	_ =	sdelay $0x3  }
0x8a: {  	s0 =	sadd.s32 s1, s0  }
0x8b: {  	[smem:$0x3FC4] =	sst s0  }
0x8c: {  	_ = 	snop  }
0x8d: {  	s0 =	sld [smem:$0x3FC8]  }
0x8e: {  	s16 =	sld [smem:$0x3FC7];
	(tm) =	ssettm $0x1  }
0x8f: {  	s2 =	sld [smem:$0x3FFB];
	_ =	sdelay $0x3  }
0x90: {  	_ =	strace s2  }
0x91: {  	s2 =	sld [smem:$0x3FFC];
	_ =	sdelay $0x3  }
0x92: {  	_ =	strace s2  }
0x93: {  	s2 =	sld [smem:$0x3FFD];
	_ =	sdelay $0x3  }
0x94: {  	_ =	strace s2  }
0x95: {  	_ =	strace $0x8FFFFFFF  }
0x96: {  	s17 =	sld [smem:$0x3FDB];
	_ =	sdelay $0x1  }
0x97: {  	s3 =	simm.s32 $_scs_section_size  }
0x98: {  	s4 =	simm.s32 $_size__tile_overlayer_lowered;
	s5 =	simm.s32 $_tile_overlayer_lowered  }
0x99: {  	s20 =	simm.s32 $0x1BFF;
	s19 =	sshll.u32 s5, $0x1;
	s2 =	sadd.s32 s3, s17  }
0x9a: {  	s6 =	simm.s32 $0x0;
	s18 =	sshll.u32 s4, $0x1;
	s4 =	sadd.s32 s19, s2  }
0x9b: {  	[timem:s6], [sflag:s20] =	dma.local [hbm:s4], s18  }
0x9c: {  	_ =	swait.ge [sflag:s20], s18  }
0x9d: {  	s3 =	ssub.s32 $0x0, s18;
	[sflag:s20] =	ssyncset.done $0x0  }
0x9e: {  	[sflag:s20] =	ssyncadd.s32 s3;
	_ =	sdelay $0x1  }
0x9f: {  	s21 =	simm.s32 $0x1B8B  }
0xa0: {  	_ =	swait.ge [sflag:s21], $0x1  }
0xa1: {  	[sflag:s21] =	ssyncset.done $0x0  }
0xa2: {  	s23 =	simm.s32 $0x1B8E;
	s22 =	sld [smem:$0x3FFE];
	[sflag:s21] =	ssyncadd.s32 $0xFFFFFFFF  }
0xa3: {  	s24 =	simm.s32 $execute0_lowered;
	[smem:$0x3FD2] =	sst s23  }
0xa4: {  	s4 =	sshll.u32 s24, $0x1;
	_ =	strace $0x80000046;
	[dreg:$0x1] =	wrdreg $0xFFFFFFFF  }
0xa5: {  	s25 =	simm.s32 $_size_execute0_lowered;
	s2 =	sadd.s32 s2, s4;
	[dreg:$0x0] =	wrdreg $0x0  }
0xa6: {  	s4 =	sshll.u32 s25, $0x1;
	[dreg:$0x2] =	wrdreg s2  }
0xa7: {  	[dreg:$0x3] =	wrdreg s4  }
0xa8: {  	[dreg:$0x4] =	wrdreg $0xC0  }
0xa9: {  	_ =	task [dreg:s6], $0x5FFFF  }
0xaa: {  	[dreg:$0x1] =	wrdreg $0xFFFFFFFF  }
0xab: {  	[dreg:$0x0] =	wrdreg $0x60  }
0xac: {  	[dreg:$0x2] =	wrdreg s16  }
0xad: {  	[dreg:$0x3] =	wrdreg s0  }
0xae: {  	[dreg:$0x4] =	wrdreg s22  }
0xaf: {  	[dreg:$0x5] =	wrdreg $0x9  }
0xb0: {  	_ =	task.clear_ibuf [dreg:s6], $0x6FFFF;
	_ =	strace $0x90000046  }
0xb1: {  	s26 =	simm.s32 $0x9;
	_ =	strace $0x80000048  }
0xb2: {  	_ =	swait.ge [sflag:s26], $0x1  }
0xb3: {  	[sflag:s26] =	ssyncadd.s32 $0xFFFFFFFF  }
0xb4: {  	_ =	strace $0x90000048  }
0xb5: {  	_ =	sfence  }
0xb6: {  	s28 =	sld [smem:$0x0];
	_ =	sdelay $0x1  }
0xb7: {  	s29 =	srdreg.scid  }
0xb8: {  	s30 =	sshll.u32 s29, $0xD;
	s31 =	sshrl.u32 s29, $0x2  }
0xb9: {  	s1 =	sand.u32 $0x1, s29;
	s2 =	sand.u32 $0x4000, s30;
	s0 =	sadd.s32 s31, s28  }
0xba: {  	s1 =	sor.u32 s2, s1;
	s0 =	sshll.u32 s0, $0x11  }
0xbb: {  	s0 =	sor.u32 s0, s1  }
0xbc: {  	s0 =	sadd.s32 $0x8F2B, s0  }
0xbd: {  	[sflag:s0] =	ssyncadd.remote.s32 $0x1  }
0xbe: {  	_ =	sfence.sel $0xFFFF  }
0xbf: {  	[dreg:$0x0] =	wrdreg $0xFFFFFFFF;
	(pc) =	sbr.abs _section_cstart, $3  }
0xc0: {  	[dreg:$0x1] =	wrdreg $0xFFFFFFFF  }
0xc1: {  	_ =	task.clear_ibuf [dreg:s6], $0x2FFFF;
	_ =	strace $0x9FFFFFFF  }
0xc2: {  	(tm) =	ssettm $0x7FFFFFFF  }
0xc3: {  	_ =	shalt  }
tec
execute0_lowered:
.L_overlay_start_1:
0x0: {  	(tag) =	ssettag $0x1  }
0x1: {  	s5 =	rddreg [dreg:$0x0]  }
0x2: {  	s4 =	rddreg [dreg:$0x1]  }
0x3: {  	s3 =	rddreg [dreg:$0x2]  }
0x4: {  	s0 =	rddreg [dreg:$0x3];
	s2 =	simm.s32 $0x0;
	s1 =	stileid.u32  }
0x5: {  	[smem:$0x7FF] =	sst s2;
	s6 =	sshll.u32 s1, $0x3  }
0x6: {  	s28 =	simm.s32 $0x2;
	_ =	strace $0x80000047;
	s4 =	sadd.s32 s4, s6  }
0x7: {  	[tilespmem:s2], [sflag:$0x2] =	stream.linear.gather [hbm4b:s4+s2], $0x40, $0x38;
	[tilespmem:$0x2100] =	vst v63  }
0x8: {  	_ =	swait.ge [sflag:s28], $0x40  }
0x9: {  	[sflag:s28] =	ssyncset.done $0x0  }
0xa: {  	[sflag:s28] =	ssyncadd.s32 $0xFFFFFFC0  }
0xb: {  	v0 =	vld [tilespmem:$0x0]  }
0xc: {  	v1 =	vld [tilespmem:$0x10]  }
0xd: {  	v2 =	vld [tilespmem:$0x20]  }
0xe: {  	v3 =	vld [tilespmem:$0x30];
	_ =	sdelay $0x3  }
0xf: {  	v4 =	vimm.f32 $0.0e+00;
	v0 =	vadd.s32 $0xFFFFFFFF, v0  }
0x10: {  	v1 =	vadd.s32 $0xFFFFFFFF, v1;
	v57 =	vadd.s32 $0xFFFFFFFF, v2;
	v61 =	vadd.s32 $0xFFFFFFFF, v3  }
0x11: {  	vm0 =	vgt.s32 v0, $0x0;
	vm1 =	vgt.s32 v0, $0xFFFFFFFF;
	vm2 =	vne.s32 v0, $0x15B2  }
0x12: {  	vm4 =	vgt.s32 v1, $0x0;
	vm5 =	vgt.s32 v1, $0xFFFFFFFF;
	v0 =	vnsel vm0, $0x0, v0  }
0x13: {  	vm6 =	vne.s32 v1, $0x15B2;
	vm11 =	vgt.s32 v57, $0x0;
	v5 =	vnsel vm4, $0x0, v1;
	[tilespmem:$0x0] =	vst v0  }
0x14: {  	vm8 =	vgt.s32 v57, $0xFFFFFFFF;
	vm12 =	vgt.s32 v61, $0x0;
	v59 =	vnsel vm11, $0x0, v57;
	[tilespmem:$0x10] =	vst v5  }
0x15: {  	vm9 =	vne.s32 v57, $0x15B2;
	vm15 =	vmand vm1, vm2;
	v62 =	vnsel vm12, $0x0, v61;
	[tilespmem:$0x20] =	vst v59  }
0x16: {  	vm13 =	vgt.s32 v61, $0xFFFFFFFF;
	vm7 =	vmand vm5, vm6;
	v56 =	vsel vm15, $0x3F800000, v4;
	[tilespmem:$0x30] =	vst v62  }
0x17: {  	vm14 =	vne.s32 v61, $0x15B2;
	vm10 =	vmand vm8, vm9;
	v58 =	vsel vm7, $0x3F800000, v4;
	[tilespmem:$0x2080] =	vst v56  }
0x18: {  	v60 =	vsel vm10, $0x3F800000, v4;
	vm15 =	vmand vm13, vm14;
	[tilespmem:$0x2090] =	vst v58  }
0x19: {  	[tilespmem:$0x20A0] =	vst v60;
	v63 =	vsel vm15, $0x3F800000, v4  }
0x1a: {  	s7 =	simm.s32 $0x40;
	s8 =	simm.s32 $0x80;
	s29 =	simm.s32 $0x1;
	[tilespmem:$0x20B0] =	vst v63  }
0x1b: {  	[tilespmem:s8], [sflag:$0x1] =	stream.indirect.gather [hbm4b:s5+s7], $0x80, s2, s7, $0xb8;
	[tilespmem:$0x2100] =	vst v63  }
0x1c: {  	s30 =	sshll.u32 s1, $0xA;
	_ =	swait.ge [sflag:s29], $0x2000  }
0x1d: {  	s7 =	sadd.s32 s30, s3;
	[sflag:s29] =	ssyncset.done $0x0  }
0x1e: {  	s7 =	sadd.s32 $0x1000, s7;
	[sflag:s29] =	ssyncadd.s32 $0xFFFFE000  }
0x1f: {  	[hbm4b:s7+s2] =	stream.linear.scatter [tilespmem:s8], [sflag:$0x2], $0x2000, $0x38;
	[tilespmem:$0x2100] =	vst v63  }
0x20: {  	_ =	swait.ge [sflag:s28], $0x2000  }
0x21: {  	s3 =	sadd.s32 s6, s3;
	[sflag:s28] =	ssyncset.done $0x0  }
0x22: {  	s31 =	simm.s32 $0x2080;
	s3 =	sadd.s32 $0x5000, s3;
	[sflag:s28] =	ssyncadd.s32 $0xFFFFE000  }
0x23: {  	[hbm4b:s3+s2] =	stream.linear.scatter [tilespmem:s31], [sflag:$0x2], $0x40, $0x38;
	[tilespmem:$0x2100] =	vst v63  }
0x24: {  	_ =	swait.ge [sflag:s28], $0x40  }
0x25: {  	[sflag:s28] =	ssyncset.done $0x0  }
0x26: {  	[sflag:s28] =	ssyncadd.s32 $0xFFFFFFC0  }
0x27: {  	_ =	sfence.sel $0x180000  }
0x28: {  	[bflag:$0x0] =	sbarrier.arrive $0xFFFF  }
0x29: {  	p0 =	sne.s32 s1, $0x0;
	_ =	strace $0x90000047  }
0x2a: {  	s0 =	sadd.s32 @!p0 $0x100000, s0;
	[bflag:$0x2] =	sbarrier.arrive $0xFFFF  }
0x2b: {  	[sflag:s0] =	ssyncadd.tile.s32 @!p0 $0x1;
	_ =	shalt  }
.Lfunc_end2:
_tile_overlayer_lowered:
.L_overlay_start_2:
0x2c: {  	(tag) =	ssettag $0x2  }
0x2d: {  	s0 =	rddreg [dreg:$0x0];
	s2 =	stileid.u32  }
0x2e: {  	s1 =	rddreg [dreg:$0x1];
	p0 =	sne.s32 s2, $0x0  }
0x2f: {  	s3 =	rddreg [dreg:$0x2];
	[bflag:$0x3] =	sbarrier.arrive $0xFFFF;
	s2 =	simm.s32 @!p0 $0x1C02  }
0x30: {  	[timem:s3], [sflag:s2] =	dma.local @!p0 [hbm:s0], s1  }
0x31: {  	s0 =	simm.s32 @!p0 $0x2  }
0x32: {  	_ =	swait.ge @!p0 [sflag:s0], s1  }
0x33: {  	s1 =	ssub.s32 @!p0 $0x0, s1;
	[sflag:s0] =	ssyncset.done @!p0 $0x0  }
0x34: {  	[sflag:s0] =	ssyncadd.s32 @!p0 s1  }
0x35: {  	[bflag:$0x3] =	sbarrier.arrive $0xFFFF  }
0x36: {  	_ =	shalt  }

</sc_bundles>
